<compile_context>
chip_gen: v7x
topology: tpu7x:2x2x1
jax: 0.10.2.dev20260603
libtpu: 0.0.44.dev20260713+nightly
codegen_flags: <defaults>
</compile_context>

<pallas_src>
import functools

import numpy as np

import jax
import jax.numpy as jnp
from jax import lax
from jax.experimental import pallas as pl
from jax.experimental.pallas import tpu as pltpu
from jax.experimental.pallas import tpu_sc as plsc

NUM_QUERIES = 300
NUM_CLASSES = 80
EMBED_DIM = 256
GROUPS = 5
LABEL_NOISE_PROB = 0.2
BOX_NOISE_SCALE = 0.4
B = 16
NGT = 100

N = GROUPS * B * NGT
QN = GROUPS * NGT
TGT = QN + NUM_QUERIES

NW_ACT = 25
ROWS_PER_W = N // NW_ACT
LANES = 16
NCHUNK = 8
CHUNK = ROWS_PER_W // NCHUNK
TABLE_REP = 25


@functools.lru_cache(maxsize=1)
def _label_gather_kernel():
    mesh = plsc.VectorSubcoreMesh(core_axis_name="c", subcore_axis_name="s")

    @functools.partial(
        pl.kernel,
        mesh=mesh,
        out_type=jax.ShapeDtypeStruct((NW_ACT, ROWS_PER_W, EMBED_DIM),
                                      jnp.float32),
        scratch_types=[
            pltpu.VMEM((ROWS_PER_W,), jnp.int32),
            pltpu.VMEM((ROWS_PER_W,), jnp.int32),
            pltpu.VMEM((ROWS_PER_W,), jnp.int32),
            pltpu.VMEM((ROWS_PER_W, EMBED_DIM), jnp.float32),
            pltpu.SemaphoreType.DMA,
        ] + [pltpu.SemaphoreType.DMA] * NCHUNK + [
            pltpu.SemaphoreType.DMA,
        ],
    )
    def _label_gather(table_hbm, labels_hbm, sel_hbm, out_hbm,
                      lab_v, sel_v, idx_v, rows_v,
                      sem_in, *sems):
        sgs = list(sems[:NCHUNK])
        sem_w = sems[NCHUNK]
        w = lax.axis_index("s") * 2 + lax.axis_index("c")

        @pl.when(w < NW_ACT)
        def _():
            ld = [pltpu.async_copy(labels_hbm.at[w], lab_v, sem_in),
                  pltpu.async_copy(sel_hbm.at[w], sel_v, sem_in)]
            for cp in ld:
                cp.wait()

            rep_off = lax.rem(w, TABLE_REP) * NUM_CLASSES
            for j in range(ROWS_PER_W // LANES):
                sl = pl.ds(j * LANES, LANES)
                sv = sel_v[sl]
                idx_v[sl] = jnp.where(sv >= 0, sv, lab_v[sl]) + rep_off

            gcps = [pltpu.async_copy(
                        table_hbm.at[idx_v.at[pl.ds(k * CHUNK, CHUNK)]],
                        rows_v.at[pl.ds(k * CHUNK, CHUNK)], sgs[k])
                    for k in range(NCHUNK)]
            wcps = []
            for k in range(NCHUNK):
                gcps[k].wait()
                wcps.append(pltpu.async_copy(
                    rows_v.at[pl.ds(k * CHUNK, CHUNK)],
                    out_hbm.at[w, pl.ds(k * CHUNK, CHUNK)], sem_w))
            for cp in wcps:
                cp.wait()

    return _label_gather


def _box_mask_body(x_ref, y_ref, w_ref, h_ref, nx_ref, ny_ref, nw_ref, nh_ref,
                   ox_ref, oy_ref, ow_ref, oh_ref, mask_ref):
    def invsig(v):
        v = jnp.clip(jnp.clip(v, 0.0, 1.0), 1e-5, 1.0 - 1e-5)
        return jnp.log(v / (1.0 - v))

    xb = x_ref[...]
    yb = y_ref[...]
    wb = w_ref[...]
    hb = h_ref[...]
    dx = wb * 0.5
    dy = hb * 0.5
    for g in range(GROUPS):
        sl = (slice(None), pl.ds(g * NGT, NGT))
        ox_ref[sl] = invsig(xb + nx_ref[sl] * dx * BOX_NOISE_SCALE)
        oy_ref[sl] = invsig(yb + ny_ref[sl] * dy * BOX_NOISE_SCALE)
        ow_ref[sl] = invsig(wb + nw_ref[sl] * wb * BOX_NOISE_SCALE)
        oh_ref[sl] = invsig(hb + nh_ref[sl] * hb * BOX_NOISE_SCALE)

    r = lax.broadcasted_iota(jnp.int32, (TGT, TGT), 0)
    c = lax.broadcasted_iota(jnp.int32, (TGT, TGT), 1)
    mask_ref[...] = (c < QN) & ((r >= QN) | ((r // NGT) != (c // NGT)))


_box_mask = pl.pallas_call(
    _box_mask_body,
    out_shape=(
        jax.ShapeDtypeStruct((B, QN), jnp.float32),
        jax.ShapeDtypeStruct((B, QN), jnp.float32),
        jax.ShapeDtypeStruct((B, QN), jnp.float32),
        jax.ShapeDtypeStruct((B, QN), jnp.float32),
        jax.ShapeDtypeStruct((TGT, TGT), jnp.bool_),
    ),
)


def _to_qb_order(flat):
    a = flat.reshape(GROUPS, B, NGT, *flat.shape[1:])
    return np.moveaxis(a, 1, 2).reshape(QN * B, *flat.shape[1:])


_ROT_A = (13, 15, 26, 6)
_ROT_B = (17, 29, 16, 24)


def _tf_rounds(x0, x1, rots):
    for r in rots:
        x0 = (x0 + x1).astype(np.uint32)
        x1 = ((x1 << np.uint32(r)) | (x1 >> np.uint32(32 - r))).astype(np.uint32)
        x1 = x0 ^ x1
    return x0, x1


def _threefry2x32(k1, k2, x0, x1):
    k1 = np.uint32(k1)
    k2 = np.uint32(k2)
    ks2 = np.uint32(k1 ^ k2 ^ np.uint32(0x1BD11BDA))
    x0 = (x0 + k1).astype(np.uint32)
    x1 = (x1 + k2).astype(np.uint32)
    for ka, kb, i in ((k2, ks2, 1), (ks2, k1, 2), (k1, k2, 3),
                      (k2, ks2, 4), (ks2, k1, 5)):
        x0, x1 = _tf_rounds(x0, x1, _ROT_A if i % 2 else _ROT_B)
        x0 = (x0 + ka).astype(np.uint32)
        x1 = (x1 + kb + np.uint32(i)).astype(np.uint32)
    return x0, x1


def _tf_split(key, num):
    lo = np.arange(num, dtype=np.uint32)
    hi = np.zeros(num, dtype=np.uint32)
    b1, b2 = _threefry2x32(key[0], key[1], hi, lo)
    return [(b1[i], b2[i]) for i in range(num)]


def _tf_bits32(key, shape):
    size = int(np.prod(shape))
    lo = np.arange(size, dtype=np.uint32)
    hi = np.zeros(size, dtype=np.uint32)
    b1, b2 = _threefry2x32(key[0], key[1], hi, lo)
    return (b1 ^ b2).reshape(shape)


def _tf_uniform01(key, shape):
    fb = (_tf_bits32(key, shape) >> np.uint32(9)) | np.uint32(0x3F800000)
    return fb.view(np.float32) - np.float32(1.0)


def _tf_randint0(key, shape, span):
    k1, k2 = _tf_split(key, 2)
    hi = _tf_bits32(k1, shape)
    lo = _tf_bits32(k2, shape)
    span_u = np.uint32(span)
    mult = np.uint32((((2 ** 16) % span) ** 2) % span)
    return (((hi % span_u) * mult + (lo % span_u)) % span_u).astype(np.int32)


def _noise_consts():
    kmask, krand, kbox = _tf_split((np.uint32(0), np.uint32(42)), 3)
    unif = _tf_uniform01(kmask, (N,))
    rand_labels = _tf_randint0(krand, (N,), NUM_CLASSES)
    noise = _tf_uniform01(kbox, (N, 4)) * np.float32(2.0) - np.float32(1.0)
    sel = np.where(unif < np.float32(LABEL_NOISE_PROB), rand_labels,
                   np.int32(-1))
    sel_in = _to_qb_order(sel.astype(np.int32)).reshape(NW_ACT, ROWS_PER_W)
    noise_p = _to_qb_order(noise).reshape(QN, B, 4)
    planes = tuple(np.ascontiguousarray(noise_p[..., i].T) for i in range(4))
    return sel_in, planes


_SEL_IN, _NOISE_PLANES = _noise_consts()


def kernel(gt_boxes, label_table, gt_labels):
    sel_in, (npx, npy, npw, nph) = _SEL_IN, _NOISE_PLANES

    labels_in = jnp.tile(gt_labels.T, (GROUPS, 1)).reshape(NW_ACT, ROWS_PER_W)

    table_rep = jnp.tile(label_table, (TABLE_REP, 1))
    emb = _label_gather_kernel()(table_rep, labels_in, sel_in)
    noised_label_queries = emb.reshape(QN, B, EMBED_DIM).transpose(1, 0, 2)

    ox, oy, ow, oh, attn_mask = _box_mask(
        gt_boxes[..., 0], gt_boxes[..., 1], gt_boxes[..., 2], gt_boxes[..., 3],
        npx, npy, npw, nph)
    noised_box_queries = jnp.stack([ox, oy, ow, oh], axis=1).transpose(0, 2, 1)

    return (noised_label_queries, noised_box_queries, attn_mask)

# --- scband reference (transcript-rebuilt; emitter-appended) ---
"""Pipeline reference for scband-generate-dnqueries-27779848471202 (READ-ONLY COPY).

The authoritative reference and input builder live on the scoring server;
editing this copy changes nothing except your own understanding.
"""

import jax, jax.numpy as jnp
import numpy as np

NUM_QUERIES = 300
NUM_CLASSES = 80
EMBED_DIM = 256
GROUPS = 5
LABEL_NOISE_PROB = 0.2
BOX_NOISE_SCALE = 0.4
B = 16
NGT = 100


def inverse_sigmoid(x, eps=1e-5):
    x = jnp.clip(x, eps, 1.0 - eps)
    return jnp.log(x / (1.0 - x))


def setup_inputs(seed: int = 0):
    key = jax.random.key(seed)
    k1, k2, k3 = jax.random.split(key, 3)
    gt_labels = jax.random.randint(k1, (B, NGT), 0, NUM_CLASSES, dtype=jnp.int32)
    gt_boxes = jax.random.uniform(k2, (B, NGT, 4), dtype=jnp.float32)
    label_table = jax.random.normal(k3, (NUM_CLASSES, EMBED_DIM), dtype=jnp.float32)
    return {"gt_boxes": gt_boxes, "label_table": label_table, "gt_labels": gt_labels}


def reference(gt_boxes, label_table, gt_labels):
    # gt_labels_list / gt_boxes_list are modeled as B images each with NGT ground truths,
    # so torch.cat(list) == reshape and every image has max_gt_num_per_image == NGT.
    key = jax.random.key(42)
    kmask, krand, kbox = jax.random.split(key, 3)

    labels = jnp.tile(gt_labels.reshape(-1), GROUPS)               # [G*B*NGT]
    boxes = jnp.tile(gt_boxes.reshape(-1, 4), (GROUPS, 1))         # [G*B*NGT, 4]
    N = labels.shape[0]

    # apply_label_noise
    mask = jax.random.uniform(kmask, (N,)) < LABEL_NOISE_PROB
    rand_labels = jax.random.randint(krand, (N,), 0, NUM_CLASSES, dtype=labels.dtype)
    noised_labels = jnp.where(mask, rand_labels, labels)

    # apply_box_noise
    diff = jnp.concatenate([boxes[:, 2:] / 2.0, boxes[:, 2:]], axis=1)
    noise = jax.random.uniform(kbox, boxes.shape) * 2.0 - 1.0
    noised_boxes = jnp.clip(boxes + noise * diff * BOX_NOISE_SCALE, 0.0, 1.0)
    noised_boxes = inverse_sigmoid(noised_boxes)

    # label embedding lookup (gather)
    label_embedding = jnp.take(label_table, noised_labels, axis=0)  # [N, EMBED_DIM]

    max_gt = NGT
    noised_query_nums = max_gt * GROUPS

    batch_idx_per_instance = jnp.repeat(jnp.arange(B), NGT)
    batch_idx_per_group = jnp.tile(batch_idx_per_instance, GROUPS)
    valid_index_per_group = jnp.concatenate(
        [jnp.tile(jnp.arange(NGT), B) + max_gt * g for g in range(GROUPS)]
    )

    # scatter-overwrite into query buffers
    noised_label_queries = jnp.zeros((B, noised_query_nums, EMBED_DIM), dtype=label_embedding.dtype)
    noised_label_queries = noised_label_queries.at[batch_idx_per_group, valid_index_per_group].set(label_embedding)
    noised_box_queries = jnp.zeros((B, noised_query_nums, 4), dtype=noised_boxes.dtype)
    noised_box_queries = noised_box_queries.at[batch_idx_per_group, valid_index_per_group].set(noised_boxes)

    # generate_query_masks
    tgt = noised_query_nums + NUM_QUERIES
    attn_mask = jnp.zeros((tgt, tgt), dtype=bool)
    attn_mask = attn_mask.at[noised_query_nums:, :noised_query_nums].set(True)
    for i in range(GROUPS):
        s = max_gt * i
        e = max_gt * (i + 1)
        attn_mask = attn_mask.at[s:e, :s].set(True)
        attn_mask = attn_mask.at[s:e, e:noised_query_nums].set(True)

    return (noised_label_queries, noised_box_queries, attn_mask)

if __name__ == "__main__":
    import jax
    _d = setup_inputs()
    print(jax.jit(kernel)(*tuple(_d.values())))

</pallas_src>

<mosaic_0001>
#map = affine_map<(d0, d1) -> (0, 0)>
#map1 = affine_map<(d0, d1) -> (0, 0, 0)>
module attributes {stable_mosaic.version = 14 : i64} {
  func.func @_label_gather(%arg0: i32, %arg1: i32, %arg2: memref<2000x256xf32, #tpu.memory_space<hbm>>, %arg3: memref<25x320xi32, #tpu.memory_space<hbm>>, %arg4: memref<25x320xi32, #tpu.memory_space<hbm>>, %arg5: memref<25x320x256xf32, #tpu.memory_space<hbm>>, %arg6: memref<320xi32, #tpu.memory_space<vmem>>, %arg7: memref<320xi32, #tpu.memory_space<vmem>>, %arg8: memref<320xi32, #tpu.memory_space<vmem>>, %arg9: memref<320x256xf32, #tpu.memory_space<vmem>>, %arg10: memref<!tpu.dma_semaphore, #tpu.memory_space<semaphore_mem>>, %arg11: memref<!tpu.dma_semaphore, #tpu.memory_space<semaphore_mem>>, %arg12: memref<!tpu.dma_semaphore, #tpu.memory_space<semaphore_mem>>, %arg13: memref<!tpu.dma_semaphore, #tpu.memory_space<semaphore_mem>>, %arg14: memref<!tpu.dma_semaphore, #tpu.memory_space<semaphore_mem>>, %arg15: memref<!tpu.dma_semaphore, #tpu.memory_space<semaphore_mem>>, %arg16: memref<!tpu.dma_semaphore, #tpu.memory_space<semaphore_mem>>, %arg17: memref<!tpu.dma_semaphore, #tpu.memory_space<semaphore_mem>>, %arg18: memref<!tpu.dma_semaphore, #tpu.memory_space<semaphore_mem>>, %arg19: memref<!tpu.dma_semaphore, #tpu.memory_space<semaphore_mem>>) attributes {dimension_semantics = [#tpu.dimension_semantics<core_parallel>, #tpu.dimension_semantics<subcore_parallel>], iteration_bounds = array<i64: 2, 16>, scalar_prefetch = 0 : i64, scratch_operands = 14 : i64, tpu.core_type = #tpu.core_type<sc_vector_subcore>, window_params = [{transform_indices = #map}, {transform_indices = #map}, {transform_indices = #map}, {transform_indices = #map1}]} {
    %mul3A = arith.constant 2 : i32
    %mul3A_0 = arith.muli %arg1, %mul3A : i32
    %add3A = arith.addi %mul3A_0, %arg0 : i32
    %lt3A = arith.constant 25 : i32
    %lt3A_1 = arith.cmpi slt, %add3A, %lt3A : i32
    %convert_element_type3A = arith.extui %lt3A_1 : i1 to i32
    %cond3A = arith.constant 0 : i32
    %cond3A_2 = arith.cmpi ne, %convert_element_type3A, %cond3A : i32
    scf.if %cond3A_2 {
      %dma_start3A = arith.constant 0 : i32
      %dma_start3A_3 = tpu.memref_slice %arg3[%add3A, %dma_start3A] : memref<25x320xi32, #tpu.memory_space<hbm>> -> memref<1x320xi32, #tpu.memory_space<hbm>>
      %dma_start3A_4 = tpu.memref_squeeze %dma_start3A_3 : memref<1x320xi32, #tpu.memory_space<hbm>> -> memref<320xi32, #tpu.memory_space<hbm>>
      %dma_start3A_5 = arith.constant 0 : i32
      %dma_start3A_6 = tpu.memref_slice %arg3[%add3A, %dma_start3A_5] : memref<25x320xi32, #tpu.memory_space<hbm>> -> memref<1x320xi32, #tpu.memory_space<hbm>>
      %dma_start3A_7 = tpu.memref_squeeze %dma_start3A_6 : memref<1x320xi32, #tpu.memory_space<hbm>> -> memref<320xi32, #tpu.memory_space<hbm>>
      tpu.enqueue_dma source(%dma_start3A_7 : memref<320xi32, #tpu.memory_space<hbm>>) target(%arg6 : memref<320xi32, #tpu.memory_space<vmem>>) target_semaphore(%arg10 : memref<!tpu.dma_semaphore, #tpu.memory_space<semaphore_mem>>)
      %dma_start3A_8 = arith.constant 0 : i32
      %dma_start3A_9 = tpu.memref_slice %arg4[%add3A, %dma_start3A_8] : memref<25x320xi32, #tpu.memory_space<hbm>> -> memref<1x320xi32, #tpu.memory_space<hbm>>
      %dma_start3A_10 = tpu.memref_squeeze %dma_start3A_9 : memref<1x320xi32, #tpu.memory_space<hbm>> -> memref<320xi32, #tpu.memory_space<hbm>>
      %dma_start3A_11 = arith.constant 0 : i32
      %dma_start3A_12 = tpu.memref_slice %arg4[%add3A, %dma_start3A_11] : memref<25x320xi32, #tpu.memory_space<hbm>> -> memref<1x320xi32, #tpu.memory_space<hbm>>
      %dma_start3A_13 = tpu.memref_squeeze %dma_start3A_12 : memref<1x320xi32, #tpu.memory_space<hbm>> -> memref<320xi32, #tpu.memory_space<hbm>>
      tpu.enqueue_dma source(%dma_start3A_13 : memref<320xi32, #tpu.memory_space<hbm>>) target(%arg7 : memref<320xi32, #tpu.memory_space<vmem>>) target_semaphore(%arg10 : memref<!tpu.dma_semaphore, #tpu.memory_space<semaphore_mem>>)
      %dma_wait3A = arith.constant 0 : i32
      %dma_wait3A_14 = tpu.memref_slice %arg3[%add3A, %dma_wait3A] : memref<25x320xi32, #tpu.memory_space<hbm>> -> memref<1x320xi32, #tpu.memory_space<hbm>>
      %dma_wait3A_15 = tpu.memref_squeeze %dma_wait3A_14 : memref<1x320xi32, #tpu.memory_space<hbm>> -> memref<320xi32, #tpu.memory_space<hbm>>
      %dma_wait3A_16 = arith.constant 0 : i32
      %dma_wait3A_17 = tpu.memref_slice %arg3[%add3A, %dma_wait3A_16] : memref<25x320xi32, #tpu.memory_space<hbm>> -> memref<1x320xi32, #tpu.memory_space<hbm>>
      %dma_wait3A_18 = tpu.memref_squeeze %dma_wait3A_17 : memref<1x320xi32, #tpu.memory_space<hbm>> -> memref<320xi32, #tpu.memory_space<hbm>>
      tpu.wait_dma2 semaphore(%arg10 : memref<!tpu.dma_semaphore, #tpu.memory_space<semaphore_mem>>) src(%dma_wait3A_18 : memref<320xi32, #tpu.memory_space<hbm>>) dst(%arg6 : memref<320xi32, #tpu.memory_space<vmem>>)
      %dma_wait3A_19 = arith.constant 0 : i32
      %dma_wait3A_20 = tpu.memref_slice %arg4[%add3A, %dma_wait3A_19] : memref<25x320xi32, #tpu.memory_space<hbm>> -> memref<1x320xi32, #tpu.memory_space<hbm>>
      %dma_wait3A_21 = tpu.memref_squeeze %dma_wait3A_20 : memref<1x320xi32, #tpu.memory_space<hbm>> -> memref<320xi32, #tpu.memory_space<hbm>>
      %dma_wait3A_22 = arith.constant 0 : i32
      %dma_wait3A_23 = tpu.memref_slice %arg4[%add3A, %dma_wait3A_22] : memref<25x320xi32, #tpu.memory_space<hbm>> -> memref<1x320xi32, #tpu.memory_space<hbm>>
      %dma_wait3A_24 = tpu.memref_squeeze %dma_wait3A_23 : memref<1x320xi32, #tpu.memory_space<hbm>> -> memref<320xi32, #tpu.memory_space<hbm>>
      tpu.wait_dma2 semaphore(%arg10 : memref<!tpu.dma_semaphore, #tpu.memory_space<semaphore_mem>>) src(%dma_wait3A_24 : memref<320xi32, #tpu.memory_space<hbm>>) dst(%arg7 : memref<320xi32, #tpu.memory_space<vmem>>)
      %rem3A = arith.constant 25 : i32
      %rem3A_25 = arith.remsi %add3A, %rem3A : i32
      %mul3A_26 = arith.constant 80 : i32
      %mul3A_27 = arith.muli %rem3A_25, %mul3A_26 : i32
      %get3A = arith.constant 0 : index
      %get3A_28 = tpu.vector_load %arg7[%get3A] {strides = array<i32>} : memref<320xi32, #tpu.memory_space<vmem>>, vector<16xi32>,
      %get3A_29 = vector.shape_cast %get3A_28 : vector<16xi32> to vector<16xi32>
      %ge3A = arith.constant 0 : i32
      %ge3A_30 = vector.broadcast %ge3A : i32 to vector<16xi32>
      %ge3A_31 = arith.cmpi sge, %get3A_29, %ge3A_30 : vector<16xi32>
      %get3A_32 = arith.constant 0 : index
      %get3A_33 = tpu.vector_load %arg6[%get3A_32] {strides = array<i32>} : memref<320xi32, #tpu.memory_space<vmem>>, vector<16xi32>,
      %get3A_34 = vector.shape_cast %get3A_33 : vector<16xi32> to vector<16xi32>
      %select_n3A = arith.select %ge3A_31, %get3A_29, %get3A_34 : vector<16xi1>, vector<16xi32>
      %add3A_35 = vector.broadcast %mul3A_27 : i32 to vector<16xi32>
      %add3A_36 = arith.addi %select_n3A, %add3A_35 : vector<16xi32>
      %swap3A = arith.constant 0 : index
      %swap3A_37 = tpu.vector_load %arg8[%swap3A] {strides = array<i32>} : memref<320xi32, #tpu.memory_space<vmem>>, vector<16xi32>,
      %swap3A_38 = vector.shape_cast %swap3A_37 : vector<16xi32> to vector<16xi32>
      %swap3A_39 = vector.shape_cast %add3A_36 : vector<16xi32> to vector<16xi32>
      tpu.vector_store %arg8[%swap3A], %swap3A_39 {strides = array<i32>} : memref<320xi32, #tpu.memory_space<vmem>>, vector<16xi32>,
      %get3A_40 = arith.constant 16 : index
      %get3A_41 = tpu.vector_load %arg7[%get3A_40] {strides = array<i32>} : memref<320xi32, #tpu.memory_space<vmem>>, vector<16xi32>,
      %get3A_42 = vector.shape_cast %get3A_41 : vector<16xi32> to vector<16xi32>
      %ge3A_43 = arith.constant 0 : i32
      %ge3A_44 = vector.broadcast %ge3A_43 : i32 to vector<16xi32>
      %ge3A_45 = arith.cmpi sge, %get3A_42, %ge3A_44 : vector<16xi32>
      %get3A_46 = arith.constant 16 : index
      %get3A_47 = tpu.vector_load %arg6[%get3A_46] {strides = array<i32>} : memref<320xi32, #tpu.memory_space<vmem>>, vector<16xi32>,
      %get3A_48 = vector.shape_cast %get3A_47 : vector<16xi32> to vector<16xi32>
      %select_n3A_49 = arith.select %ge3A_45, %get3A_42, %get3A_48 : vector<16xi1>, vector<16xi32>
      %add3A_50 = vector.broadcast %mul3A_27 : i32 to vector<16xi32>
      %add3A_51 = arith.addi %select_n3A_49, %add3A_50 : vector<16xi32>
      %swap3A_52 = arith.constant 16 : index
      %swap3A_53 = tpu.vector_load %arg8[%swap3A_52] {strides = array<i32>} : memref<320xi32, #tpu.memory_space<vmem>>, vector<16xi32>,
      %swap3A_54 = vector.shape_cast %swap3A_53 : vector<16xi32> to vector<16xi32>
      %swap3A_55 = vector.shape_cast %add3A_51 : vector<16xi32> to vector<16xi32>
      tpu.vector_store %arg8[%swap3A_52], %swap3A_55 {strides = array<i32>} : memref<320xi32, #tpu.memory_space<vmem>>, vector<16xi32>,
      %get3A_56 = arith.constant 32 : index
      %get3A_57 = tpu.vector_load %arg7[%get3A_56] {strides = array<i32>} : memref<320xi32, #tpu.memory_space<vmem>>, vector<16xi32>,
      %get3A_58 = vector.shape_cast %get3A_57 : vector<16xi32> to vector<16xi32>
      %ge3A_59 = arith.constant 0 : i32
      %ge3A_60 = vector.broadcast %ge3A_59 : i32 to vector<16xi32>
      %ge3A_61 = arith.cmpi sge, %get3A_58, %ge3A_60 : vector<16xi32>
      %get3A_62 = arith.constant 32 : index
      %get3A_63 = tpu.vector_load %arg6[%get3A_62] {strides = array<i32>} : memref<320xi32, #tpu.memory_space<vmem>>, vector<16xi32>,
      %get3A_64 = vector.shape_cast %get3A_63 : vector<16xi32> to vector<16xi32>
      %select_n3A_65 = arith.select %ge3A_61, %get3A_58, %get3A_64 : vector<16xi1>, vector<16xi32>
      %add3A_66 = vector.broadcast %mul3A_27 : i32 to vector<16xi32>
      %add3A_67 = arith.addi %select_n3A_65, %add3A_66 : vector<16xi32>
      %swap3A_68 = arith.constant 32 : index
      %swap3A_69 = tpu.vector_load %arg8[%swap3A_68] {strides = array<i32>} : memref<320xi32, #tpu.memory_space<vmem>>, vector<16xi32>,
      %swap3A_70 = vector.shape_cast %swap3A_69 : vector<16xi32> to vector<16xi32>
      %swap3A_71 = vector.shape_cast %add3A_67 : vector<16xi32> to vector<16xi32>
      tpu.vector_store %arg8[%swap3A_68], %swap3A_71 {strides = array<i32>} : memref<320xi32, #tpu.memory_space<vmem>>, vector<16xi32>,
      %get3A_72 = arith.constant 48 : index
      %get3A_73 = tpu.vector_load %arg7[%get3A_72] {strides = array<i32>} : memref<320xi32, #tpu.memory_space<vmem>>, vector<16xi32>,
      %get3A_74 = vector.shape_cast %get3A_73 : vector<16xi32> to vector<16xi32>
      %ge3A_75 = arith.constant 0 : i32
      %ge3A_76 = vector.broadcast %ge3A_75 : i32 to vector<16xi32>
      %ge3A_77 = arith.cmpi sge, %get3A_74, %ge3A_76 : vector<16xi32>
      %get3A_78 = arith.constant 48 : index
      %get3A_79 = tpu.vector_load %arg6[%get3A_78] {strides = array<i32>} : memref<320xi32, #tpu.memory_space<vmem>>, vector<16xi32>,
      %get3A_80 = vector.shape_cast %get3A_79 : vector<16xi32> to vector<16xi32>
      %select_n3A_81 = arith.select %ge3A_77, %get3A_74, %get3A_80 : vector<16xi1>, vector<16xi32>
      %add3A_82 = vector.broadcast %mul3A_27 : i32 to vector<16xi32>
      %add3A_83 = arith.addi %select_n3A_81, %add3A_82 : vector<16xi32>
      %swap3A_84 = arith.constant 48 : index
      %swap3A_85 = tpu.vector_load %arg8[%swap3A_84] {strides = array<i32>} : memref<320xi32, #tpu.memory_space<vmem>>, vector<16xi32>,
      %swap3A_86 = vector.shape_cast %swap3A_85 : vector<16xi32> to vector<16xi32>
      %swap3A_87 = vector.shape_cast %add3A_83 : vector<16xi32> to vector<16xi32>
      tpu.vector_store %arg8[%swap3A_84], %swap3A_87 {strides = array<i32>} : memref<320xi32, #tpu.memory_space<vmem>>, vector<16xi32>,
      %get3A_88 = arith.constant 64 : index
      %get3A_89 = tpu.vector_load %arg7[%get3A_88] {strides = array<i32>} : memref<320xi32, #tpu.memory_space<vmem>>, vector<16xi32>,
      %get3A_90 = vector.shape_cast %get3A_89 : vector<16xi32> to vector<16xi32>
      %ge3A_91 = arith.constant 0 : i32
      %ge3A_92 = vector.broadcast %ge3A_91 : i32 to vector<16xi32>
      %ge3A_93 = arith.cmpi sge, %get3A_90, %ge3A_92 : vector<16xi32>
      %get3A_94 = arith.constant 64 : index
      %get3A_95 = tpu.vector_load %arg6[%get3A_94] {strides = array<i32>} : memref<320xi32, #tpu.memory_space<vmem>>, vector<16xi32>,
      %get3A_96 = vector.shape_cast %get3A_95 : vector<16xi32> to vector<16xi32>
      %select_n3A_97 = arith.select %ge3A_93, %get3A_90, %get3A_96 : vector<16xi1>, vector<16xi32>
      %add3A_98 = vector.broadcast %mul3A_27 : i32 to vector<16xi32>
      %add3A_99 = arith.addi %select_n3A_97, %add3A_98 : vector<16xi32>
      %swap3A_100 = arith.constant 64 : index
      %swap3A_101 = tpu.vector_load %arg8[%swap3A_100] {strides = array<i32>} : memref<320xi32, #tpu.memory_space<vmem>>, vector<16xi32>,
      %swap3A_102 = vector.shape_cast %swap3A_101 : vector<16xi32> to vector<16xi32>
      %swap3A_103 = vector.shape_cast %add3A_99 : vector<16xi32> to vector<16xi32>
      tpu.vector_store %arg8[%swap3A_100], %swap3A_103 {strides = array<i32>} : memref<320xi32, #tpu.memory_space<vmem>>, vector<16xi32>,
      %get3A_104 = arith.constant 80 : index
      %get3A_105 = tpu.vector_load %arg7[%get3A_104] {strides = array<i32>} : memref<320xi32, #tpu.memory_space<vmem>>, vector<16xi32>,
      %get3A_106 = vector.shape_cast %get3A_105 : vector<16xi32> to vector<16xi32>
      %ge3A_107 = arith.constant 0 : i32
      %ge3A_108 = vector.broadcast %ge3A_107 : i32 to vector<16xi32>
      %ge3A_109 = arith.cmpi sge, %get3A_106, %ge3A_108 : vector<16xi32>
      %get3A_110 = arith.constant 80 : index
      %get3A_111 = tpu.vector_load %arg6[%get3A_110] {strides = array<i32>} : memref<320xi32, #tpu.memory_space<vmem>>, vector<16xi32>,
      %get3A_112 = vector.shape_cast %get3A_111 : vector<16xi32> to vector<16xi32>
      %select_n3A_113 = arith.select %ge3A_109, %get3A_106, %get3A_112 : vector<16xi1>, vector<16xi32>
      %add3A_114 = vector.broadcast %mul3A_27 : i32 to vector<16xi32>
      %add3A_115 = arith.addi %select_n3A_113, %add3A_114 : vector<16xi32>
      %swap3A_116 = arith.constant 80 : index
      %swap3A_117 = tpu.vector_load %arg8[%swap3A_116] {strides = array<i32>} : memref<320xi32, #tpu.memory_space<vmem>>, vector<16xi32>,
      %swap3A_118 = vector.shape_cast %swap3A_117 : vector<16xi32> to vector<16xi32>
      %swap3A_119 = vector.shape_cast %add3A_115 : vector<16xi32> to vector<16xi32>
      tpu.vector_store %arg8[%swap3A_116], %swap3A_119 {strides = array<i32>} : memref<320xi32, #tpu.memory_space<vmem>>, vector<16xi32>,
      %get3A_120 = arith.constant 96 : index
      %get3A_121 = tpu.vector_load %arg7[%get3A_120] {strides = array<i32>} : memref<320xi32, #tpu.memory_space<vmem>>, vector<16xi32>,
      %get3A_122 = vector.shape_cast %get3A_121 : vector<16xi32> to vector<16xi32>
      %ge3A_123 = arith.constant 0 : i32
      %ge3A_124 = vector.broadcast %ge3A_123 : i32 to vector<16xi32>
      %ge3A_125 = arith.cmpi sge, %get3A_122, %ge3A_124 : vector<16xi32>
      %get3A_126 = arith.constant 96 : index
      %get3A_127 = tpu.vector_load %arg6[%get3A_126] {strides = array<i32>} : memref<320xi32, #tpu.memory_space<vmem>>, vector<16xi32>,
      %get3A_128 = vector.shape_cast %get3A_127 : vector<16xi32> to vector<16xi32>
      %select_n3A_129 = arith.select %ge3A_125, %get3A_122, %get3A_128 : vector<16xi1>, vector<16xi32>
      %add3A_130 = vector.broadcast %mul3A_27 : i32 to vector<16xi32>
      %add3A_131 = arith.addi %select_n3A_129, %add3A_130 : vector<16xi32>
      %swap3A_132 = arith.constant 96 : index
      %swap3A_133 = tpu.vector_load %arg8[%swap3A_132] {strides = array<i32>} : memref<320xi32, #tpu.memory_space<vmem>>, vector<16xi32>,
      %swap3A_134 = vector.shape_cast %swap3A_133 : vector<16xi32> to vector<16xi32>
      %swap3A_135 = vector.shape_cast %add3A_131 : vector<16xi32> to vector<16xi32>
      tpu.vector_store %arg8[%swap3A_132], %swap3A_135 {strides = array<i32>} : memref<320xi32, #tpu.memory_space<vmem>>, vector<16xi32>,
      %get3A_136 = arith.constant 112 : index
      %get3A_137 = tpu.vector_load %arg7[%get3A_136] {strides = array<i32>} : memref<320xi32, #tpu.memory_space<vmem>>, vector<16xi32>,
      %get3A_138 = vector.shape_cast %get3A_137 : vector<16xi32> to vector<16xi32>
      %ge3A_139 = arith.constant 0 : i32
      %ge3A_140 = vector.broadcast %ge3A_139 : i32 to vector<16xi32>
      %ge3A_141 = arith.cmpi sge, %get3A_138, %ge3A_140 : vector<16xi32>
      %get3A_142 = arith.constant 112 : index
      %get3A_143 = tpu.vector_load %arg6[%get3A_142] {strides = array<i32>} : memref<320xi32, #tpu.memory_space<vmem>>, vector<16xi32>,
      %get3A_144 = vector.shape_cast %get3A_143 : vector<16xi32> to vector<16xi32>
      %select_n3A_145 = arith.select %ge3A_141, %get3A_138, %get3A_144 : vector<16xi1>, vector<16xi32>
      %add3A_146 = vector.broadcast %mul3A_27 : i32 to vector<16xi32>
      %add3A_147 = arith.addi %select_n3A_145, %add3A_146 : vector<16xi32>
      %swap3A_148 = arith.constant 112 : index
      %swap3A_149 = tpu.vector_load %arg8[%swap3A_148] {strides = array<i32>} : memref<320xi32, #tpu.memory_space<vmem>>, vector<16xi32>,
      %swap3A_150 = vector.shape_cast %swap3A_149 : vector<16xi32> to vector<16xi32>
      %swap3A_151 = vector.shape_cast %add3A_147 : vector<16xi32> to vector<16xi32>
      tpu.vector_store %arg8[%swap3A_148], %swap3A_151 {strides = array<i32>} : memref<320xi32, #tpu.memory_space<vmem>>, vector<16xi32>,
      %get3A_152 = arith.constant 128 : index
      %get3A_153 = tpu.vector_load %arg7[%get3A_152] {strides = array<i32>} : memref<320xi32, #tpu.memory_space<vmem>>, vector<16xi32>,
      %get3A_154 = vector.shape_cast %get3A_153 : vector<16xi32> to vector<16xi32>
      %ge3A_155 = arith.constant 0 : i32
      %ge3A_156 = vector.broadcast %ge3A_155 : i32 to vector<16xi32>
      %ge3A_157 = arith.cmpi sge, %get3A_154, %ge3A_156 : vector<16xi32>
      %get3A_158 = arith.constant 128 : index
      %get3A_159 = tpu.vector_load %arg6[%get3A_158] {strides = array<i32>} : memref<320xi32, #tpu.memory_space<vmem>>, vector<16xi32>,
      %get3A_160 = vector.shape_cast %get3A_159 : vector<16xi32> to vector<16xi32>
      %select_n3A_161 = arith.select %ge3A_157, %get3A_154, %get3A_160 : vector<16xi1>, vector<16xi32>
      %add3A_162 = vector.broadcast %mul3A_27 : i32 to vector<16xi32>
      %add3A_163 = arith.addi %select_n3A_161, %add3A_162 : vector<16xi32>
      %swap3A_164 = arith.constant 128 : index
      %swap3A_165 = tpu.vector_load %arg8[%swap3A_164] {strides = array<i32>} : memref<320xi32, #tpu.memory_space<vmem>>, vector<16xi32>,
      %swap3A_166 = vector.shape_cast %swap3A_165 : vector<16xi32> to vector<16xi32>
      %swap3A_167 = vector.shape_cast %add3A_163 : vector<16xi32> to vector<16xi32>
      tpu.vector_store %arg8[%swap3A_164], %swap3A_167 {strides = array<i32>} : memref<320xi32, #tpu.memory_space<vmem>>, vector<16xi32>,
      %get3A_168 = arith.constant 144 : index
      %get3A_169 = tpu.vector_load %arg7[%get3A_168] {strides = array<i32>} : memref<320xi32, #tpu.memory_space<vmem>>, vector<16xi32>,
      %get3A_170 = vector.shape_cast %get3A_169 : vector<16xi32> to vector<16xi32>
      %ge3A_171 = arith.constant 0 : i32
      %ge3A_172 = vector.broadcast %ge3A_171 : i32 to vector<16xi32>
      %ge3A_173 = arith.cmpi sge, %get3A_170, %ge3A_172 : vector<16xi32>
      %get3A_174 = arith.constant 144 : index
      %get3A_175 = tpu.vector_load %arg6[%get3A_174] {strides = array<i32>} : memref<320xi32, #tpu.memory_space<vmem>>, vector<16xi32>,
      %get3A_176 = vector.shape_cast %get3A_175 : vector<16xi32> to vector<16xi32>
      %select_n3A_177 = arith.select %ge3A_173, %get3A_170, %get3A_176 : vector<16xi1>, vector<16xi32>
      %add3A_178 = vector.broadcast %mul3A_27 : i32 to vector<16xi32>
      %add3A_179 = arith.addi %select_n3A_177, %add3A_178 : vector<16xi32>
      %swap3A_180 = arith.constant 144 : index
      %swap3A_181 = tpu.vector_load %arg8[%swap3A_180] {strides = array<i32>} : memref<320xi32, #tpu.memory_space<vmem>>, vector<16xi32>,
      %swap3A_182 = vector.shape_cast %swap3A_181 : vector<16xi32> to vector<16xi32>
      %swap3A_183 = vector.shape_cast %add3A_179 : vector<16xi32> to vector<16xi32>
      tpu.vector_store %arg8[%swap3A_180], %swap3A_183 {strides = array<i32>} : memref<320xi32, #tpu.memory_space<vmem>>, vector<16xi32>,
      %get3A_184 = arith.constant 160 : index
      %get3A_185 = tpu.vector_load %arg7[%get3A_184] {strides = array<i32>} : memref<320xi32, #tpu.memory_space<vmem>>, vector<16xi32>,
      %get3A_186 = vector.shape_cast %get3A_185 : vector<16xi32> to vector<16xi32>
      %ge3A_187 = arith.constant 0 : i32
      %ge3A_188 = vector.broadcast %ge3A_187 : i32 to vector<16xi32>
      %ge3A_189 = arith.cmpi sge, %get3A_186, %ge3A_188 : vector<16xi32>
      %get3A_190 = arith.constant 160 : index
      %get3A_191 = tpu.vector_load %arg6[%get3A_190] {strides = array<i32>} : memref<320xi32, #tpu.memory_space<vmem>>, vector<16xi32>,
      %get3A_192 = vector.shape_cast %get3A_191 : vector<16xi32> to vector<16xi32>
      %select_n3A_193 = arith.select %ge3A_189, %get3A_186, %get3A_192 : vector<16xi1>, vector<16xi32>
      %add3A_194 = vector.broadcast %mul3A_27 : i32 to vector<16xi32>
      %add3A_195 = arith.addi %select_n3A_193, %add3A_194 : vector<16xi32>
      %swap3A_196 = arith.constant 160 : index
      %swap3A_197 = tpu.vector_load %arg8[%swap3A_196] {strides = array<i32>} : memref<320xi32, #tpu.memory_space<vmem>>, vector<16xi32>,
      %swap3A_198 = vector.shape_cast %swap3A_197 : vector<16xi32> to vector<16xi32>
      %swap3A_199 = vector.shape_cast %add3A_195 : vector<16xi32> to vector<16xi32>
      tpu.vector_store %arg8[%swap3A_196], %swap3A_199 {strides = array<i32>} : memref<320xi32, #tpu.memory_space<vmem>>, vector<16xi32>,
      %get3A_200 = arith.constant 176 : index
      %get3A_201 = tpu.vector_load %arg7[%get3A_200] {strides = array<i32>} : memref<320xi32, #tpu.memory_space<vmem>>, vector<16xi32>,
      %get3A_202 = vector.shape_cast %get3A_201 : vector<16xi32> to vector<16xi32>
      %ge3A_203 = arith.constant 0 : i32
      %ge3A_204 = vector.broadcast %ge3A_203 : i32 to vector<16xi32>
      %ge3A_205 = arith.cmpi sge, %get3A_202, %ge3A_204 : vector<16xi32>
      %get3A_206 = arith.constant 176 : index
      %get3A_207 = tpu.vector_load %arg6[%get3A_206] {strides = array<i32>} : memref<320xi32, #tpu.memory_space<vmem>>, vector<16xi32>,
      %get3A_208 = vector.shape_cast %get3A_207 : vector<16xi32> to vector<16xi32>
      %select_n3A_209 = arith.select %ge3A_205, %get3A_202, %get3A_208 : vector<16xi1>, vector<16xi32>
      %add3A_210 = vector.broadcast %mul3A_27 : i32 to vector<16xi32>
      %add3A_211 = arith.addi %select_n3A_209, %add3A_210 : vector<16xi32>
      %swap3A_212 = arith.constant 176 : index
      %swap3A_213 = tpu.vector_load %arg8[%swap3A_212] {strides = array<i32>} : memref<320xi32, #tpu.memory_space<vmem>>, vector<16xi32>,
      %swap3A_214 = vector.shape_cast %swap3A_213 : vector<16xi32> to vector<16xi32>
      %swap3A_215 = vector.shape_cast %add3A_211 : vector<16xi32> to vector<16xi32>
      tpu.vector_store %arg8[%swap3A_212], %swap3A_215 {strides = array<i32>} : memref<320xi32, #tpu.memory_space<vmem>>, vector<16xi32>,
      %get3A_216 = arith.constant 192 : index
      %get3A_217 = tpu.vector_load %arg7[%get3A_216] {strides = array<i32>} : memref<320xi32, #tpu.memory_space<vmem>>, vector<16xi32>,
      %get3A_218 = vector.shape_cast %get3A_217 : vector<16xi32> to vector<16xi32>
      %ge3A_219 = arith.constant 0 : i32
      %ge3A_220 = vector.broadcast %ge3A_219 : i32 to vector<16xi32>
      %ge3A_221 = arith.cmpi sge, %get3A_218, %ge3A_220 : vector<16xi32>
      %get3A_222 = arith.constant 192 : index
      %get3A_223 = tpu.vector_load %arg6[%get3A_222] {strides = array<i32>} : memref<320xi32, #tpu.memory_space<vmem>>, vector<16xi32>,
      %get3A_224 = vector.shape_cast %get3A_223 : vector<16xi32> to vector<16xi32>
      %select_n3A_225 = arith.select %ge3A_221, %get3A_218, %get3A_224 : vector<16xi1>, vector<16xi32>
      %add3A_226 = vector.broadcast %mul3A_27 : i32 to vector<16xi32>
      %add3A_227 = arith.addi %select_n3A_225, %add3A_226 : vector<16xi32>
      %swap3A_228 = arith.constant 192 : index
      %swap3A_229 = tpu.vector_load %arg8[%swap3A_228] {strides = array<i32>} : memref<320xi32, #tpu.memory_space<vmem>>, vector<16xi32>,
      %swap3A_230 = vector.shape_cast %swap3A_229 : vector<16xi32> to vector<16xi32>
      %swap3A_231 = vector.shape_cast %add3A_227 : vector<16xi32> to vector<16xi32>
      tpu.vector_store %arg8[%swap3A_228], %swap3A_231 {strides = array<i32>} : memref<320xi32, #tpu.memory_space<vmem>>, vector<16xi32>,
      %get3A_232 = arith.constant 208 : index
      %get3A_233 = tpu.vector_load %arg7[%get3A_232] {strides = array<i32>} : memref<320xi32, #tpu.memory_space<vmem>>, vector<16xi32>,
      %get3A_234 = vector.shape_cast %get3A_233 : vector<16xi32> to vector<16xi32>
      %ge3A_235 = arith.constant 0 : i32
      %ge3A_236 = vector.broadcast %ge3A_235 : i32 to vector<16xi32>
      %ge3A_237 = arith.cmpi sge, %get3A_234, %ge3A_236 : vector<16xi32>
      %get3A_238 = arith.constant 208 : index
      %get3A_239 = tpu.vector_load %arg6[%get3A_238] {strides = array<i32>} : memref<320xi32, #tpu.memory_space<vmem>>, vector<16xi32>,
      %get3A_240 = vector.shape_cast %get3A_239 : vector<16xi32> to vector<16xi32>
      %select_n3A_241 = arith.select %ge3A_237, %get3A_234, %get3A_240 : vector<16xi1>, vector<16xi32>
      %add3A_242 = vector.broadcast %mul3A_27 : i32 to vector<16xi32>
      %add3A_243 = arith.addi %select_n3A_241, %add3A_242 : vector<16xi32>
      %swap3A_244 = arith.constant 208 : index
      %swap3A_245 = tpu.vector_load %arg8[%swap3A_244] {strides = array<i32>} : memref<320xi32, #tpu.memory_space<vmem>>, vector<16xi32>,
      %swap3A_246 = vector.shape_cast %swap3A_245 : vector<16xi32> to vector<16xi32>
      %swap3A_247 = vector.shape_cast %add3A_243 : vector<16xi32> to vector<16xi32>
      tpu.vector_store %arg8[%swap3A_244], %swap3A_247 {strides = array<i32>} : memref<320xi32, #tpu.memory_space<vmem>>, vector<16xi32>,
      %get3A_248 = arith.constant 224 : index
      %get3A_249 = tpu.vector_load %arg7[%get3A_248] {strides = array<i32>} : memref<320xi32, #tpu.memory_space<vmem>>, vector<16xi32>,
      %get3A_250 = vector.shape_cast %get3A_249 : vector<16xi32> to vector<16xi32>
      %ge3A_251 = arith.constant 0 : i32
      %ge3A_252 = vector.broadcast %ge3A_251 : i32 to vector<16xi32>
      %ge3A_253 = arith.cmpi sge, %get3A_250, %ge3A_252 : vector<16xi32>
      %get3A_254 = arith.constant 224 : index
      %get3A_255 = tpu.vector_load %arg6[%get3A_254] {strides = array<i32>} : memref<320xi32, #tpu.memory_space<vmem>>, vector<16xi32>,
      %get3A_256 = vector.shape_cast %get3A_255 : vector<16xi32> to vector<16xi32>
      %select_n3A_257 = arith.select %ge3A_253, %get3A_250, %get3A_256 : vector<16xi1>, vector<16xi32>
      %add3A_258 = vector.broadcast %mul3A_27 : i32 to vector<16xi32>
      %add3A_259 = arith.addi %select_n3A_257, %add3A_258 : vector<16xi32>
      %swap3A_260 = arith.constant 224 : index
      %swap3A_261 = tpu.vector_load %arg8[%swap3A_260] {strides = array<i32>} : memref<320xi32, #tpu.memory_space<vmem>>, vector<16xi32>,
      %swap3A_262 = vector.shape_cast %swap3A_261 : vector<16xi32> to vector<16xi32>
      %swap3A_263 = vector.shape_cast %add3A_259 : vector<16xi32> to vector<16xi32>
      tpu.vector_store %arg8[%swap3A_260], %swap3A_263 {strides = array<i32>} : memref<320xi32, #tpu.memory_space<vmem>>, vector<16xi32>,
      %get3A_264 = arith.constant 240 : index
      %get3A_265 = tpu.vector_load %arg7[%get3A_264] {strides = array<i32>} : memref<320xi32, #tpu.memory_space<vmem>>, vector<16xi32>,
      %get3A_266 = vector.shape_cast %get3A_265 : vector<16xi32> to vector<16xi32>
      %ge3A_267 = arith.constant 0 : i32
      %ge3A_268 = vector.broadcast %ge3A_267 : i32 to vector<16xi32>
      %ge3A_269 = arith.cmpi sge, %get3A_266, %ge3A_268 : vector<16xi32>
      %get3A_270 = arith.constant 240 : index
      %get3A_271 = tpu.vector_load %arg6[%get3A_270] {strides = array<i32>} : memref<320xi32, #tpu.memory_space<vmem>>, vector<16xi32>,
      %get3A_272 = vector.shape_cast %get3A_271 : vector<16xi32> to vector<16xi32>
      %select_n3A_273 = arith.select %ge3A_269, %get3A_266, %get3A_272 : vector<16xi1>, vector<16xi32>
      %add3A_274 = vector.broadcast %mul3A_27 : i32 to vector<16xi32>
      %add3A_275 = arith.addi %select_n3A_273, %add3A_274 : vector<16xi32>
      %swap3A_276 = arith.constant 240 : index
      %swap3A_277 = tpu.vector_load %arg8[%swap3A_276] {strides = array<i32>} : memref<320xi32, #tpu.memory_space<vmem>>, vector<16xi32>,
      %swap3A_278 = vector.shape_cast %swap3A_277 : vector<16xi32> to vector<16xi32>
      %swap3A_279 = vector.shape_cast %add3A_275 : vector<16xi32> to vector<16xi32>
      tpu.vector_store %arg8[%swap3A_276], %swap3A_279 {strides = array<i32>} : memref<320xi32, #tpu.memory_space<vmem>>, vector<16xi32>,
      %get3A_280 = arith.constant 256 : index
      %get3A_281 = tpu.vector_load %arg7[%get3A_280] {strides = array<i32>} : memref<320xi32, #tpu.memory_space<vmem>>, vector<16xi32>,
      %get3A_282 = vector.shape_cast %get3A_281 : vector<16xi32> to vector<16xi32>
      %ge3A_283 = arith.constant 0 : i32
      %ge3A_284 = vector.broadcast %ge3A_283 : i32 to vector<16xi32>
      %ge3A_285 = arith.cmpi sge, %get3A_282, %ge3A_284 : vector<16xi32>
      %get3A_286 = arith.constant 256 : index
      %get3A_287 = tpu.vector_load %arg6[%get3A_286] {strides = array<i32>} : memref<320xi32, #tpu.memory_space<vmem>>, vector<16xi32>,
      %get3A_288 = vector.shape_cast %get3A_287 : vector<16xi32> to vector<16xi32>
      %select_n3A_289 = arith.select %ge3A_285, %get3A_282, %get3A_288 : vector<16xi1>, vector<16xi32>
      %add3A_290 = vector.broadcast %mul3A_27 : i32 to vector<16xi32>
      %add3A_291 = arith.addi %select_n3A_289, %add3A_290 : vector<16xi32>
      %swap3A_292 = arith.constant 256 : index
      %swap3A_293 = tpu.vector_load %arg8[%swap3A_292] {strides = array<i32>} : memref<320xi32, #tpu.memory_space<vmem>>, vector<16xi32>,
      %swap3A_294 = vector.shape_cast %swap3A_293 : vector<16xi32> to vector<16xi32>
      %swap3A_295 = vector.shape_cast %add3A_291 : vector<16xi32> to vector<16xi32>
      tpu.vector_store %arg8[%swap3A_292], %swap3A_295 {strides = array<i32>} : memref<320xi32, #tpu.memory_space<vmem>>, vector<16xi32>,
      %get3A_296 = arith.constant 272 : index
      %get3A_297 = tpu.vector_load %arg7[%get3A_296] {strides = array<i32>} : memref<320xi32, #tpu.memory_space<vmem>>, vector<16xi32>,
      %get3A_298 = vector.shape_cast %get3A_297 : vector<16xi32> to vector<16xi32>
      %ge3A_299 = arith.constant 0 : i32
      %ge3A_300 = vector.broadcast %ge3A_299 : i32 to vector<16xi32>
      %ge3A_301 = arith.cmpi sge, %get3A_298, %ge3A_300 : vector<16xi32>
      %get3A_302 = arith.constant 272 : index
      %get3A_303 = tpu.vector_load %arg6[%get3A_302] {strides = array<i32>} : memref<320xi32, #tpu.memory_space<vmem>>, vector<16xi32>,
      %get3A_304 = vector.shape_cast %get3A_303 : vector<16xi32> to vector<16xi32>
      %select_n3A_305 = arith.select %ge3A_301, %get3A_298, %get3A_304 : vector<16xi1>, vector<16xi32>
      %add3A_306 = vector.broadcast %mul3A_27 : i32 to vector<16xi32>
      %add3A_307 = arith.addi %select_n3A_305, %add3A_306 : vector<16xi32>
      %swap3A_308 = arith.constant 272 : index
      %swap3A_309 = tpu.vector_load %arg8[%swap3A_308] {strides = array<i32>} : memref<320xi32, #tpu.memory_space<vmem>>, vector<16xi32>,
      %swap3A_310 = vector.shape_cast %swap3A_309 : vector<16xi32> to vector<16xi32>
      %swap3A_311 = vector.shape_cast %add3A_307 : vector<16xi32> to vector<16xi32>
      tpu.vector_store %arg8[%swap3A_308], %swap3A_311 {strides = array<i32>} : memref<320xi32, #tpu.memory_space<vmem>>, vector<16xi32>,
      %get3A_312 = arith.constant 288 : index
      %get3A_313 = tpu.vector_load %arg7[%get3A_312] {strides = array<i32>} : memref<320xi32, #tpu.memory_space<vmem>>, vector<16xi32>,
      %get3A_314 = vector.shape_cast %get3A_313 : vector<16xi32> to vector<16xi32>
      %ge3A_315 = arith.constant 0 : i32
      %ge3A_316 = vector.broadcast %ge3A_315 : i32 to vector<16xi32>
      %ge3A_317 = arith.cmpi sge, %get3A_314, %ge3A_316 : vector<16xi32>
      %get3A_318 = arith.constant 288 : index
      %get3A_319 = tpu.vector_load %arg6[%get3A_318] {strides = array<i32>} : memref<320xi32, #tpu.memory_space<vmem>>, vector<16xi32>,
      %get3A_320 = vector.shape_cast %get3A_319 : vector<16xi32> to vector<16xi32>
      %select_n3A_321 = arith.select %ge3A_317, %get3A_314, %get3A_320 : vector<16xi1>, vector<16xi32>
      %add3A_322 = vector.broadcast %mul3A_27 : i32 to vector<16xi32>
      %add3A_323 = arith.addi %select_n3A_321, %add3A_322 : vector<16xi32>
      %swap3A_324 = arith.constant 288 : index
      %swap3A_325 = tpu.vector_load %arg8[%swap3A_324] {strides = array<i32>} : memref<320xi32, #tpu.memory_space<vmem>>, vector<16xi32>,
      %swap3A_326 = vector.shape_cast %swap3A_325 : vector<16xi32> to vector<16xi32>
      %swap3A_327 = vector.shape_cast %add3A_323 : vector<16xi32> to vector<16xi32>
      tpu.vector_store %arg8[%swap3A_324], %swap3A_327 {strides = array<i32>} : memref<320xi32, #tpu.memory_space<vmem>>, vector<16xi32>,
      %get3A_328 = arith.constant 304 : index
      %get3A_329 = tpu.vector_load %arg7[%get3A_328] {strides = array<i32>} : memref<320xi32, #tpu.memory_space<vmem>>, vector<16xi32>,
      %get3A_330 = vector.shape_cast %get3A_329 : vector<16xi32> to vector<16xi32>
      %ge3A_331 = arith.constant 0 : i32
      %ge3A_332 = vector.broadcast %ge3A_331 : i32 to vector<16xi32>
      %ge3A_333 = arith.cmpi sge, %get3A_330, %ge3A_332 : vector<16xi32>
      %get3A_334 = arith.constant 304 : index
      %get3A_335 = tpu.vector_load %arg6[%get3A_334] {strides = array<i32>} : memref<320xi32, #tpu.memory_space<vmem>>, vector<16xi32>,
      %get3A_336 = vector.shape_cast %get3A_335 : vector<16xi32> to vector<16xi32>
      %select_n3A_337 = arith.select %ge3A_333, %get3A_330, %get3A_336 : vector<16xi1>, vector<16xi32>
      %add3A_338 = vector.broadcast %mul3A_27 : i32 to vector<16xi32>
      %add3A_339 = arith.addi %select_n3A_337, %add3A_338 : vector<16xi32>
      %swap3A_340 = arith.constant 304 : index
      %swap3A_341 = tpu.vector_load %arg8[%swap3A_340] {strides = array<i32>} : memref<320xi32, #tpu.memory_space<vmem>>, vector<16xi32>,
      %swap3A_342 = vector.shape_cast %swap3A_341 : vector<16xi32> to vector<16xi32>
      %swap3A_343 = vector.shape_cast %add3A_339 : vector<16xi32> to vector<16xi32>
      tpu.vector_store %arg8[%swap3A_340], %swap3A_343 {strides = array<i32>} : memref<320xi32, #tpu.memory_space<vmem>>, vector<16xi32>,
      %dma_start3A_344 = arith.constant 0 : i32
      %dma_start3A_345 = arith.constant 0 : i32
      %dma_start3A_346 = tpu.memref_slice %arg9[%dma_start3A_344, %dma_start3A_345] : memref<320x256xf32, #tpu.memory_space<vmem>> -> memref<40x256xf32, #tpu.memory_space<vmem>>
      %dma_start3A_347 = arith.constant 0 : i32
      %dma_start3A_348 = tpu.memref_slice %arg8[%dma_start3A_347] : memref<320xi32, #tpu.memory_space<vmem>> -> memref<40xi32, #tpu.memory_space<vmem>>
      %dma_start3A_349 = arith.constant 0 : i32
      %dma_start3A_350 = arith.constant 0 : i32
      %dma_start3A_351 = tpu.memref_slice %arg2[%dma_start3A_349, %dma_start3A_350] : memref<2000x256xf32, #tpu.memory_space<hbm>> -> memref<2000x256xf32, #tpu.memory_space<hbm>>
      tpu.enqueue_indirect_dma source(%dma_start3A_351 : memref<2000x256xf32, #tpu.memory_space<hbm>>) target(%dma_start3A_346 : memref<40x256xf32, #tpu.memory_space<vmem>>) offsets(%dma_start3A_348 : memref<40xi32, #tpu.memory_space<vmem>>) semaphore(%arg11 : memref<!tpu.dma_semaphore, #tpu.memory_space<semaphore_mem>>)
      %dma_start3A_352 = arith.constant 40 : i32
      %dma_start3A_353 = arith.constant 0 : i32
      %dma_start3A_354 = tpu.memref_slice %arg9[%dma_start3A_352, %dma_start3A_353] : memref<320x256xf32, #tpu.memory_space<vmem>> -> memref<40x256xf32, #tpu.memory_space<vmem>>
      %dma_start3A_355 = arith.constant 40 : i32
      %dma_start3A_356 = tpu.memref_slice %arg8[%dma_start3A_355] : memref<320xi32, #tpu.memory_space<vmem>> -> memref<40xi32, #tpu.memory_space<vmem>>
      %dma_start3A_357 = arith.constant 0 : i32
      %dma_start3A_358 = arith.constant 0 : i32
      %dma_start3A_359 = tpu.memref_slice %arg2[%dma_start3A_357, %dma_start3A_358] : memref<2000x256xf32, #tpu.memory_space<hbm>> -> memref<2000x256xf32, #tpu.memory_space<hbm>>
      tpu.enqueue_indirect_dma source(%dma_start3A_359 : memref<2000x256xf32, #tpu.memory_space<hbm>>) target(%dma_start3A_354 : memref<40x256xf32, #tpu.memory_space<vmem>>) offsets(%dma_start3A_356 : memref<40xi32, #tpu.memory_space<vmem>>) semaphore(%arg12 : memref<!tpu.dma_semaphore, #tpu.memory_space<semaphore_mem>>)
      %dma_start3A_360 = arith.constant 80 : i32
      %dma_start3A_361 = arith.constant 0 : i32
      %dma_start3A_362 = tpu.memref_slice %arg9[%dma_start3A_360, %dma_start3A_361] : memref<320x256xf32, #tpu.memory_space<vmem>> -> memref<40x256xf32, #tpu.memory_space<vmem>>
      %dma_start3A_363 = arith.constant 80 : i32
      %dma_start3A_364 = tpu.memref_slice %arg8[%dma_start3A_363] : memref<320xi32, #tpu.memory_space<vmem>> -> memref<40xi32, #tpu.memory_space<vmem>>
      %dma_start3A_365 = arith.constant 0 : i32
      %dma_start3A_366 = arith.constant 0 : i32
      %dma_start3A_367 = tpu.memref_slice %arg2[%dma_start3A_365, %dma_start3A_366] : memref<2000x256xf32, #tpu.memory_space<hbm>> -> memref<2000x256xf32, #tpu.memory_space<hbm>>
      tpu.enqueue_indirect_dma source(%dma_start3A_367 : memref<2000x256xf32, #tpu.memory_space<hbm>>) target(%dma_start3A_362 : memref<40x256xf32, #tpu.memory_space<vmem>>) offsets(%dma_start3A_364 : memref<40xi32, #tpu.memory_space<vmem>>) semaphore(%arg13 : memref<!tpu.dma_semaphore, #tpu.memory_space<semaphore_mem>>)
      %dma_start3A_368 = arith.constant 120 : i32
      %dma_start3A_369 = arith.constant 0 : i32
      %dma_start3A_370 = tpu.memref_slice %arg9[%dma_start3A_368, %dma_start3A_369] : memref<320x256xf32, #tpu.memory_space<vmem>> -> memref<40x256xf32, #tpu.memory_space<vmem>>
      %dma_start3A_371 = arith.constant 120 : i32
      %dma_start3A_372 = tpu.memref_slice %arg8[%dma_start3A_371] : memref<320xi32, #tpu.memory_space<vmem>> -> memref<40xi32, #tpu.memory_space<vmem>>
      %dma_start3A_373 = arith.constant 0 : i32
      %dma_start3A_374 = arith.constant 0 : i32
      %dma_start3A_375 = tpu.memref_slice %arg2[%dma_start3A_373, %dma_start3A_374] : memref<2000x256xf32, #tpu.memory_space<hbm>> -> memref<2000x256xf32, #tpu.memory_space<hbm>>
      tpu.enqueue_indirect_dma source(%dma_start3A_375 : memref<2000x256xf32, #tpu.memory_space<hbm>>) target(%dma_start3A_370 : memref<40x256xf32, #tpu.memory_space<vmem>>) offsets(%dma_start3A_372 : memref<40xi32, #tpu.memory_space<vmem>>) semaphore(%arg14 : memref<!tpu.dma_semaphore, #tpu.memory_space<semaphore_mem>>)
      %dma_start3A_376 = arith.constant 160 : i32
      %dma_start3A_377 = arith.constant 0 : i32
      %dma_start3A_378 = tpu.memref_slice %arg9[%dma_start3A_376, %dma_start3A_377] : memref<320x256xf32, #tpu.memory_space<vmem>> -> memref<40x256xf32, #tpu.memory_space<vmem>>
      %dma_start3A_379 = arith.constant 160 : i32
      %dma_start3A_380 = tpu.memref_slice %arg8[%dma_start3A_379] : memref<320xi32, #tpu.memory_space<vmem>> -> memref<40xi32, #tpu.memory_space<vmem>>
      %dma_start3A_381 = arith.constant 0 : i32
      %dma_start3A_382 = arith.constant 0 : i32
      %dma_start3A_383 = tpu.memref_slice %arg2[%dma_start3A_381, %dma_start3A_382] : memref<2000x256xf32, #tpu.memory_space<hbm>> -> memref<2000x256xf32, #tpu.memory_space<hbm>>
      tpu.enqueue_indirect_dma source(%dma_start3A_383 : memref<2000x256xf32, #tpu.memory_space<hbm>>) target(%dma_start3A_378 : memref<40x256xf32, #tpu.memory_space<vmem>>) offsets(%dma_start3A_380 : memref<40xi32, #tpu.memory_space<vmem>>) semaphore(%arg15 : memref<!tpu.dma_semaphore, #tpu.memory_space<semaphore_mem>>)
      %dma_start3A_384 = arith.constant 200 : i32
      %dma_start3A_385 = arith.constant 0 : i32
      %dma_start3A_386 = tpu.memref_slice %arg9[%dma_start3A_384, %dma_start3A_385] : memref<320x256xf32, #tpu.memory_space<vmem>> -> memref<40x256xf32, #tpu.memory_space<vmem>>
      %dma_start3A_387 = arith.constant 200 : i32
      %dma_start3A_388 = tpu.memref_slice %arg8[%dma_start3A_387] : memref<320xi32, #tpu.memory_space<vmem>> -> memref<40xi32, #tpu.memory_space<vmem>>
      %dma_start3A_389 = arith.constant 0 : i32
      %dma_start3A_390 = arith.constant 0 : i32
      %dma_start3A_391 = tpu.memref_slice %arg2[%dma_start3A_389, %dma_start3A_390] : memref<2000x256xf32, #tpu.memory_space<hbm>> -> memref<2000x256xf32, #tpu.memory_space<hbm>>
      tpu.enqueue_indirect_dma source(%dma_start3A_391 : memref<2000x256xf32, #tpu.memory_space<hbm>>) target(%dma_start3A_386 : memref<40x256xf32, #tpu.memory_space<vmem>>) offsets(%dma_start3A_388 : memref<40xi32, #tpu.memory_space<vmem>>) semaphore(%arg16 : memref<!tpu.dma_semaphore, #tpu.memory_space<semaphore_mem>>)
      %dma_start3A_392 = arith.constant 240 : i32
      %dma_start3A_393 = arith.constant 0 : i32
      %dma_start3A_394 = tpu.memref_slice %arg9[%dma_start3A_392, %dma_start3A_393] : memref<320x256xf32, #tpu.memory_space<vmem>> -> memref<40x256xf32, #tpu.memory_space<vmem>>
      %dma_start3A_395 = arith.constant 240 : i32
      %dma_start3A_396 = tpu.memref_slice %arg8[%dma_start3A_395] : memref<320xi32, #tpu.memory_space<vmem>> -> memref<40xi32, #tpu.memory_space<vmem>>
      %dma_start3A_397 = arith.constant 0 : i32
      %dma_start3A_398 = arith.constant 0 : i32
      %dma_start3A_399 = tpu.memref_slice %arg2[%dma_start3A_397, %dma_start3A_398] : memref<2000x256xf32, #tpu.memory_space<hbm>> -> memref<2000x256xf32, #tpu.memory_space<hbm>>
      tpu.enqueue_indirect_dma source(%dma_start3A_399 : memref<2000x256xf32, #tpu.memory_space<hbm>>) target(%dma_start3A_394 : memref<40x256xf32, #tpu.memory_space<vmem>>) offsets(%dma_start3A_396 : memref<40xi32, #tpu.memory_space<vmem>>) semaphore(%arg17 : memref<!tpu.dma_semaphore, #tpu.memory_space<semaphore_mem>>)
      %dma_start3A_400 = arith.constant 280 : i32
      %dma_start3A_401 = arith.constant 0 : i32
      %dma_start3A_402 = tpu.memref_slice %arg9[%dma_start3A_400, %dma_start3A_401] : memref<320x256xf32, #tpu.memory_space<vmem>> -> memref<40x256xf32, #tpu.memory_space<vmem>>
      %dma_start3A_403 = arith.constant 280 : i32
      %dma_start3A_404 = tpu.memref_slice %arg8[%dma_start3A_403] : memref<320xi32, #tpu.memory_space<vmem>> -> memref<40xi32, #tpu.memory_space<vmem>>
      %dma_start3A_405 = arith.constant 0 : i32
      %dma_start3A_406 = arith.constant 0 : i32
      %dma_start3A_407 = tpu.memref_slice %arg2[%dma_start3A_405, %dma_start3A_406] : memref<2000x256xf32, #tpu.memory_space<hbm>> -> memref<2000x256xf32, #tpu.memory_space<hbm>>
      tpu.enqueue_indirect_dma source(%dma_start3A_407 : memref<2000x256xf32, #tpu.memory_space<hbm>>) target(%dma_start3A_402 : memref<40x256xf32, #tpu.memory_space<vmem>>) offsets(%dma_start3A_404 : memref<40xi32, #tpu.memory_space<vmem>>) semaphore(%arg18 : memref<!tpu.dma_semaphore, #tpu.memory_space<semaphore_mem>>)
      %dma_wait3A_408 = arith.constant 0 : i32
      %dma_wait3A_409 = arith.constant 0 : i32
      %dma_wait3A_410 = tpu.memref_slice %arg9[%dma_wait3A_408, %dma_wait3A_409] : memref<320x256xf32, #tpu.memory_space<vmem>> -> memref<40x256xf32, #tpu.memory_space<vmem>>
      %dma_wait3A_411 = arith.constant 0 : i32
      %dma_wait3A_412 = tpu.memref_slice %arg8[%dma_wait3A_411] : memref<320xi32, #tpu.memory_space<vmem>> -> memref<40xi32, #tpu.memory_space<vmem>>
      %dma_wait3A_413 = arith.constant 0 : i32
      %dma_wait3A_414 = arith.constant 0 : i32
      %dma_wait3A_415 = tpu.memref_slice %arg2[%dma_wait3A_413, %dma_wait3A_414] : memref<2000x256xf32, #tpu.memory_space<hbm>> -> memref<2000x256xf32, #tpu.memory_space<hbm>>
      tpu.wait_indirect_dma semaphore(%arg11 : memref<!tpu.dma_semaphore, #tpu.memory_space<semaphore_mem>>) src(%dma_wait3A_415 : memref<2000x256xf32, #tpu.memory_space<hbm>>) dst(%dma_wait3A_410 : memref<40x256xf32, #tpu.memory_space<vmem>>)
      %dma_start3A_416 = arith.constant 0 : i32
      %dma_start3A_417 = arith.constant 0 : i32
      %dma_start3A_418 = tpu.memref_slice %arg9[%dma_start3A_416, %dma_start3A_417] : memref<320x256xf32, #tpu.memory_space<vmem>> -> memref<40x256xf32, #tpu.memory_space<vmem>>
      %dma_start3A_419 = arith.constant 0 : i32
      %dma_start3A_420 = arith.constant 0 : i32
      %dma_start3A_421 = tpu.memref_slice %arg5[%add3A, %dma_start3A_419, %dma_start3A_420] : memref<25x320x256xf32, #tpu.memory_space<hbm>> -> memref<1x40x256xf32, #tpu.memory_space<hbm>>
      %dma_start3A_422 = tpu.memref_squeeze %dma_start3A_421 : memref<1x40x256xf32, #tpu.memory_space<hbm>> -> memref<40x256xf32, #tpu.memory_space<hbm>>
      %dma_start3A_423 = arith.constant 0 : i32
      %dma_start3A_424 = arith.constant 0 : i32
      %dma_start3A_425 = tpu.memref_slice %arg5[%add3A, %dma_start3A_423, %dma_start3A_424] : memref<25x320x256xf32, #tpu.memory_space<hbm>> -> memref<1x40x256xf32, #tpu.memory_space<hbm>>
      %dma_start3A_426 = tpu.memref_squeeze %dma_start3A_425 : memref<1x40x256xf32, #tpu.memory_space<hbm>> -> memref<40x256xf32, #tpu.memory_space<hbm>>
      %dma_start3A_427 = arith.constant 0 : i32
      %dma_start3A_428 = arith.constant 0 : i32
      %dma_start3A_429 = tpu.memref_slice %arg9[%dma_start3A_427, %dma_start3A_428] : memref<320x256xf32, #tpu.memory_space<vmem>> -> memref<40x256xf32, #tpu.memory_space<vmem>>
      tpu.enqueue_dma source(%dma_start3A_429 : memref<40x256xf32, #tpu.memory_space<vmem>>) target(%dma_start3A_426 : memref<40x256xf32, #tpu.memory_space<hbm>>) target_semaphore(%arg19 : memref<!tpu.dma_semaphore, #tpu.memory_space<semaphore_mem>>)
      %dma_wait3A_430 = arith.constant 40 : i32
      %dma_wait3A_431 = arith.constant 0 : i32
      %dma_wait3A_432 = tpu.memref_slice %arg9[%dma_wait3A_430, %dma_wait3A_431] : memref<320x256xf32, #tpu.memory_space<vmem>> -> memref<40x256xf32, #tpu.memory_space<vmem>>
      %dma_wait3A_433 = arith.constant 40 : i32
      %dma_wait3A_434 = tpu.memref_slice %arg8[%dma_wait3A_433] : memref<320xi32, #tpu.memory_space<vmem>> -> memref<40xi32, #tpu.memory_space<vmem>>
      %dma_wait3A_435 = arith.constant 0 : i32
      %dma_wait3A_436 = arith.constant 0 : i32
      %dma_wait3A_437 = tpu.memref_slice %arg2[%dma_wait3A_435, %dma_wait3A_436] : memref<2000x256xf32, #tpu.memory_space<hbm>> -> memref<2000x256xf32, #tpu.memory_space<hbm>>
      tpu.wait_indirect_dma semaphore(%arg12 : memref<!tpu.dma_semaphore, #tpu.memory_space<semaphore_mem>>) src(%dma_wait3A_437 : memref<2000x256xf32, #tpu.memory_space<hbm>>) dst(%dma_wait3A_432 : memref<40x256xf32, #tpu.memory_space<vmem>>)
      %dma_start3A_438 = arith.constant 40 : i32
      %dma_start3A_439 = arith.constant 0 : i32
      %dma_start3A_440 = tpu.memref_slice %arg9[%dma_start3A_438, %dma_start3A_439] : memref<320x256xf32, #tpu.memory_space<vmem>> -> memref<40x256xf32, #tpu.memory_space<vmem>>
      %dma_start3A_441 = arith.constant 40 : i32
      %dma_start3A_442 = arith.constant 0 : i32
      %dma_start3A_443 = tpu.memref_slice %arg5[%add3A, %dma_start3A_441, %dma_start3A_442] : memref<25x320x256xf32, #tpu.memory_space<hbm>> -> memref<1x40x256xf32, #tpu.memory_space<hbm>>
      %dma_start3A_444 = tpu.memref_squeeze %dma_start3A_443 : memref<1x40x256xf32, #tpu.memory_space<hbm>> -> memref<40x256xf32, #tpu.memory_space<hbm>>
      %dma_start3A_445 = arith.constant 40 : i32
      %dma_start3A_446 = arith.constant 0 : i32
      %dma_start3A_447 = tpu.memref_slice %arg5[%add3A, %dma_start3A_445, %dma_start3A_446] : memref<25x320x256xf32, #tpu.memory_space<hbm>> -> memref<1x40x256xf32, #tpu.memory_space<hbm>>
      %dma_start3A_448 = tpu.memref_squeeze %dma_start3A_447 : memref<1x40x256xf32, #tpu.memory_space<hbm>> -> memref<40x256xf32, #tpu.memory_space<hbm>>
      %dma_start3A_449 = arith.constant 40 : i32
      %dma_start3A_450 = arith.constant 0 : i32
      %dma_start3A_451 = tpu.memref_slice %arg9[%dma_start3A_449, %dma_start3A_450] : memref<320x256xf32, #tpu.memory_space<vmem>> -> memref<40x256xf32, #tpu.memory_space<vmem>>
      tpu.enqueue_dma source(%dma_start3A_451 : memref<40x256xf32, #tpu.memory_space<vmem>>) target(%dma_start3A_448 : memref<40x256xf32, #tpu.memory_space<hbm>>) target_semaphore(%arg19 : memref<!tpu.dma_semaphore, #tpu.memory_space<semaphore_mem>>)
      %dma_wait3A_452 = arith.constant 80 : i32
      %dma_wait3A_453 = arith.constant 0 : i32
      %dma_wait3A_454 = tpu.memref_slice %arg9[%dma_wait3A_452, %dma_wait3A_453] : memref<320x256xf32, #tpu.memory_space<vmem>> -> memref<40x256xf32, #tpu.memory_space<vmem>>
      %dma_wait3A_455 = arith.constant 80 : i32
      %dma_wait3A_456 = tpu.memref_slice %arg8[%dma_wait3A_455] : memref<320xi32, #tpu.memory_space<vmem>> -> memref<40xi32, #tpu.memory_space<vmem>>
      %dma_wait3A_457 = arith.constant 0 : i32
      %dma_wait3A_458 = arith.constant 0 : i32
      %dma_wait3A_459 = tpu.memref_slice %arg2[%dma_wait3A_457, %dma_wait3A_458] : memref<2000x256xf32, #tpu.memory_space<hbm>> -> memref<2000x256xf32, #tpu.memory_space<hbm>>
      tpu.wait_indirect_dma semaphore(%arg13 : memref<!tpu.dma_semaphore, #tpu.memory_space<semaphore_mem>>) src(%dma_wait3A_459 : memref<2000x256xf32, #tpu.memory_space<hbm>>) dst(%dma_wait3A_454 : memref<40x256xf32, #tpu.memory_space<vmem>>)
      %dma_start3A_460 = arith.constant 80 : i32
      %dma_start3A_461 = arith.constant 0 : i32
      %dma_start3A_462 = tpu.memref_slice %arg9[%dma_start3A_460, %dma_start3A_461] : memref<320x256xf32, #tpu.memory_space<vmem>> -> memref<40x256xf32, #tpu.memory_space<vmem>>
      %dma_start3A_463 = arith.constant 80 : i32
      %dma_start3A_464 = arith.constant 0 : i32
      %dma_start3A_465 = tpu.memref_slice %arg5[%add3A, %dma_start3A_463, %dma_start3A_464] : memref<25x320x256xf32, #tpu.memory_space<hbm>> -> memref<1x40x256xf32, #tpu.memory_space<hbm>>
      %dma_start3A_466 = tpu.memref_squeeze %dma_start3A_465 : memref<1x40x256xf32, #tpu.memory_space<hbm>> -> memref<40x256xf32, #tpu.memory_space<hbm>>
      %dma_start3A_467 = arith.constant 80 : i32
      %dma_start3A_468 = arith.constant 0 : i32
      %dma_start3A_469 = tpu.memref_slice %arg5[%add3A, %dma_start3A_467, %dma_start3A_468] : memref<25x320x256xf32, #tpu.memory_space<hbm>> -> memref<1x40x256xf32, #tpu.memory_space<hbm>>
      %dma_start3A_470 = tpu.memref_squeeze %dma_start3A_469 : memref<1x40x256xf32, #tpu.memory_space<hbm>> -> memref<40x256xf32, #tpu.memory_space<hbm>>
      %dma_start3A_471 = arith.constant 80 : i32
      %dma_start3A_472 = arith.constant 0 : i32
      %dma_start3A_473 = tpu.memref_slice %arg9[%dma_start3A_471, %dma_start3A_472] : memref<320x256xf32, #tpu.memory_space<vmem>> -> memref<40x256xf32, #tpu.memory_space<vmem>>
      tpu.enqueue_dma source(%dma_start3A_473 : memref<40x256xf32, #tpu.memory_space<vmem>>) target(%dma_start3A_470 : memref<40x256xf32, #tpu.memory_space<hbm>>) target_semaphore(%arg19 : memref<!tpu.dma_semaphore, #tpu.memory_space<semaphore_mem>>)
      %dma_wait3A_474 = arith.constant 120 : i32
      %dma_wait3A_475 = arith.constant 0 : i32
      %dma_wait3A_476 = tpu.memref_slice %arg9[%dma_wait3A_474, %dma_wait3A_475] : memref<320x256xf32, #tpu.memory_space<vmem>> -> memref<40x256xf32, #tpu.memory_space<vmem>>
      %dma_wait3A_477 = arith.constant 120 : i32
      %dma_wait3A_478 = tpu.memref_slice %arg8[%dma_wait3A_477] : memref<320xi32, #tpu.memory_space<vmem>> -> memref<40xi32, #tpu.memory_space<vmem>>
      %dma_wait3A_479 = arith.constant 0 : i32
      %dma_wait3A_480 = arith.constant 0 : i32
      %dma_wait3A_481 = tpu.memref_slice %arg2[%dma_wait3A_479, %dma_wait3A_480] : memref<2000x256xf32, #tpu.memory_space<hbm>> -> memref<2000x256xf32, #tpu.memory_space<hbm>>
      tpu.wait_indirect_dma semaphore(%arg14 : memref<!tpu.dma_semaphore, #tpu.memory_space<semaphore_mem>>) src(%dma_wait3A_481 : memref<2000x256xf32, #tpu.memory_space<hbm>>) dst(%dma_wait3A_476 : memref<40x256xf32, #tpu.memory_space<vmem>>)
      %dma_start3A_482 = arith.constant 120 : i32
      %dma_start3A_483 = arith.constant 0 : i32
      %dma_start3A_484 = tpu.memref_slice %arg9[%dma_start3A_482, %dma_start3A_483] : memref<320x256xf32, #tpu.memory_space<vmem>> -> memref<40x256xf32, #tpu.memory_space<vmem>>
      %dma_start3A_485 = arith.constant 120 : i32
      %dma_start3A_486 = arith.constant 0 : i32
      %dma_start3A_487 = tpu.memref_slice %arg5[%add3A, %dma_start3A_485, %dma_start3A_486] : memref<25x320x256xf32, #tpu.memory_space<hbm>> -> memref<1x40x256xf32, #tpu.memory_space<hbm>>
      %dma_start3A_488 = tpu.memref_squeeze %dma_start3A_487 : memref<1x40x256xf32, #tpu.memory_space<hbm>> -> memref<40x256xf32, #tpu.memory_space<hbm>>
      %dma_start3A_489 = arith.constant 120 : i32
      %dma_start3A_490 = arith.constant 0 : i32
      %dma_start3A_491 = tpu.memref_slice %arg5[%add3A, %dma_start3A_489, %dma_start3A_490] : memref<25x320x256xf32, #tpu.memory_space<hbm>> -> memref<1x40x256xf32, #tpu.memory_space<hbm>>
      %dma_start3A_492 = tpu.memref_squeeze %dma_start3A_491 : memref<1x40x256xf32, #tpu.memory_space<hbm>> -> memref<40x256xf32, #tpu.memory_space<hbm>>
      %dma_start3A_493 = arith.constant 120 : i32
      %dma_start3A_494 = arith.constant 0 : i32
      %dma_start3A_495 = tpu.memref_slice %arg9[%dma_start3A_493, %dma_start3A_494] : memref<320x256xf32, #tpu.memory_space<vmem>> -> memref<40x256xf32, #tpu.memory_space<vmem>>
      tpu.enqueue_dma source(%dma_start3A_495 : memref<40x256xf32, #tpu.memory_space<vmem>>) target(%dma_start3A_492 : memref<40x256xf32, #tpu.memory_space<hbm>>) target_semaphore(%arg19 : memref<!tpu.dma_semaphore, #tpu.memory_space<semaphore_mem>>)
      %dma_wait3A_496 = arith.constant 160 : i32
      %dma_wait3A_497 = arith.constant 0 : i32
      %dma_wait3A_498 = tpu.memref_slice %arg9[%dma_wait3A_496, %dma_wait3A_497] : memref<320x256xf32, #tpu.memory_space<vmem>> -> memref<40x256xf32, #tpu.memory_space<vmem>>
      %dma_wait3A_499 = arith.constant 160 : i32
      %dma_wait3A_500 = tpu.memref_slice %arg8[%dma_wait3A_499] : memref<320xi32, #tpu.memory_space<vmem>> -> memref<40xi32, #tpu.memory_space<vmem>>
      %dma_wait3A_501 = arith.constant 0 : i32
      %dma_wait3A_502 = arith.constant 0 : i32
      %dma_wait3A_503 = tpu.memref_slice %arg2[%dma_wait3A_501, %dma_wait3A_502] : memref<2000x256xf32, #tpu.memory_space<hbm>> -> memref<2000x256xf32, #tpu.memory_space<hbm>>
      tpu.wait_indirect_dma semaphore(%arg15 : memref<!tpu.dma_semaphore, #tpu.memory_space<semaphore_mem>>) src(%dma_wait3A_503 : memref<2000x256xf32, #tpu.memory_space<hbm>>) dst(%dma_wait3A_498 : memref<40x256xf32, #tpu.memory_space<vmem>>)
      %dma_start3A_504 = arith.constant 160 : i32
      %dma_start3A_505 = arith.constant 0 : i32
      %dma_start3A_506 = tpu.memref_slice %arg9[%dma_start3A_504, %dma_start3A_505] : memref<320x256xf32, #tpu.memory_space<vmem>> -> memref<40x256xf32, #tpu.memory_space<vmem>>
      %dma_start3A_507 = arith.constant 160 : i32
      %dma_start3A_508 = arith.constant 0 : i32
      %dma_start3A_509 = tpu.memref_slice %arg5[%add3A, %dma_start3A_507, %dma_start3A_508] : memref<25x320x256xf32, #tpu.memory_space<hbm>> -> memref<1x40x256xf32, #tpu.memory_space<hbm>>
      %dma_start3A_510 = tpu.memref_squeeze %dma_start3A_509 : memref<1x40x256xf32, #tpu.memory_space<hbm>> -> memref<40x256xf32, #tpu.memory_space<hbm>>
      %dma_start3A_511 = arith.constant 160 : i32
      %dma_start3A_512 = arith.constant 0 : i32
      %dma_start3A_513 = tpu.memref_slice %arg5[%add3A, %dma_start3A_511, %dma_start3A_512] : memref<25x320x256xf32, #tpu.memory_space<hbm>> -> memref<1x40x256xf32, #tpu.memory_space<hbm>>
      %dma_start3A_514 = tpu.memref_squeeze %dma_start3A_513 : memref<1x40x256xf32, #tpu.memory_space<hbm>> -> memref<40x256xf32, #tpu.memory_space<hbm>>
      %dma_start3A_515 = arith.constant 160 : i32
      %dma_start3A_516 = arith.constant 0 : i32
      %dma_start3A_517 = tpu.memref_slice %arg9[%dma_start3A_515, %dma_start3A_516] : memref<320x256xf32, #tpu.memory_space<vmem>> -> memref<40x256xf32, #tpu.memory_space<vmem>>
      tpu.enqueue_dma source(%dma_start3A_517 : memref<40x256xf32, #tpu.memory_space<vmem>>) target(%dma_start3A_514 : memref<40x256xf32, #tpu.memory_space<hbm>>) target_semaphore(%arg19 : memref<!tpu.dma_semaphore, #tpu.memory_space<semaphore_mem>>)
      %dma_wait3A_518 = arith.constant 200 : i32
      %dma_wait3A_519 = arith.constant 0 : i32
      %dma_wait3A_520 = tpu.memref_slice %arg9[%dma_wait3A_518, %dma_wait3A_519] : memref<320x256xf32, #tpu.memory_space<vmem>> -> memref<40x256xf32, #tpu.memory_space<vmem>>
      %dma_wait3A_521 = arith.constant 200 : i32
      %dma_wait3A_522 = tpu.memref_slice %arg8[%dma_wait3A_521] : memref<320xi32, #tpu.memory_space<vmem>> -> memref<40xi32, #tpu.memory_space<vmem>>
      %dma_wait3A_523 = arith.constant 0 : i32
      %dma_wait3A_524 = arith.constant 0 : i32
      %dma_wait3A_525 = tpu.memref_slice %arg2[%dma_wait3A_523, %dma_wait3A_524] : memref<2000x256xf32, #tpu.memory_space<hbm>> -> memref<2000x256xf32, #tpu.memory_space<hbm>>
      tpu.wait_indirect_dma semaphore(%arg16 : memref<!tpu.dma_semaphore, #tpu.memory_space<semaphore_mem>>) src(%dma_wait3A_525 : memref<2000x256xf32, #tpu.memory_space<hbm>>) dst(%dma_wait3A_520 : memref<40x256xf32, #tpu.memory_space<vmem>>)
      %dma_start3A_526 = arith.constant 200 : i32
      %dma_start3A_527 = arith.constant 0 : i32
      %dma_start3A_528 = tpu.memref_slice %arg9[%dma_start3A_526, %dma_start3A_527] : memref<320x256xf32, #tpu.memory_space<vmem>> -> memref<40x256xf32, #tpu.memory_space<vmem>>
      %dma_start3A_529 = arith.constant 200 : i32
      %dma_start3A_530 = arith.constant 0 : i32
      %dma_start3A_531 = tpu.memref_slice %arg5[%add3A, %dma_start3A_529, %dma_start3A_530] : memref<25x320x256xf32, #tpu.memory_space<hbm>> -> memref<1x40x256xf32, #tpu.memory_space<hbm>>
      %dma_start3A_532 = tpu.memref_squeeze %dma_start3A_531 : memref<1x40x256xf32, #tpu.memory_space<hbm>> -> memref<40x256xf32, #tpu.memory_space<hbm>>
      %dma_start3A_533 = arith.constant 200 : i32
      %dma_start3A_534 = arith.constant 0 : i32
      %dma_start3A_535 = tpu.memref_slice %arg5[%add3A, %dma_start3A_533, %dma_start3A_534] : memref<25x320x256xf32, #tpu.memory_space<hbm>> -> memref<1x40x256xf32, #tpu.memory_space<hbm>>
      %dma_start3A_536 = tpu.memref_squeeze %dma_start3A_535 : memref<1x40x256xf32, #tpu.memory_space<hbm>> -> memref<40x256xf32, #tpu.memory_space<hbm>>
      %dma_start3A_537 = arith.constant 200 : i32
      %dma_start3A_538 = arith.constant 0 : i32
      %dma_start3A_539 = tpu.memref_slice %arg9[%dma_start3A_537, %dma_start3A_538] : memref<320x256xf32, #tpu.memory_space<vmem>> -> memref<40x256xf32, #tpu.memory_space<vmem>>
      tpu.enqueue_dma source(%dma_start3A_539 : memref<40x256xf32, #tpu.memory_space<vmem>>) target(%dma_start3A_536 : memref<40x256xf32, #tpu.memory_space<hbm>>) target_semaphore(%arg19 : memref<!tpu.dma_semaphore, #tpu.memory_space<semaphore_mem>>)
      %dma_wait3A_540 = arith.constant 240 : i32
      %dma_wait3A_541 = arith.constant 0 : i32
      %dma_wait3A_542 = tpu.memref_slice %arg9[%dma_wait3A_540, %dma_wait3A_541] : memref<320x256xf32, #tpu.memory_space<vmem>> -> memref<40x256xf32, #tpu.memory_space<vmem>>
      %dma_wait3A_543 = arith.constant 240 : i32
      %dma_wait3A_544 = tpu.memref_slice %arg8[%dma_wait3A_543] : memref<320xi32, #tpu.memory_space<vmem>> -> memref<40xi32, #tpu.memory_space<vmem>>
      %dma_wait3A_545 = arith.constant 0 : i32
      %dma_wait3A_546 = arith.constant 0 : i32
      %dma_wait3A_547 = tpu.memref_slice %arg2[%dma_wait3A_545, %dma_wait3A_546] : memref<2000x256xf32, #tpu.memory_space<hbm>> -> memref<2000x256xf32, #tpu.memory_space<hbm>>
      tpu.wait_indirect_dma semaphore(%arg17 : memref<!tpu.dma_semaphore, #tpu.memory_space<semaphore_mem>>) src(%dma_wait3A_547 : memref<2000x256xf32, #tpu.memory_space<hbm>>) dst(%dma_wait3A_542 : memref<40x256xf32, #tpu.memory_space<vmem>>)
      %dma_start3A_548 = arith.constant 240 : i32
      %dma_start3A_549 = arith.constant 0 : i32
      %dma_start3A_550 = tpu.memref_slice %arg9[%dma_start3A_548, %dma_start3A_549] : memref<320x256xf32, #tpu.memory_space<vmem>> -> memref<40x256xf32, #tpu.memory_space<vmem>>
      %dma_start3A_551 = arith.constant 240 : i32
      %dma_start3A_552 = arith.constant 0 : i32
      %dma_start3A_553 = tpu.memref_slice %arg5[%add3A, %dma_start3A_551, %dma_start3A_552] : memref<25x320x256xf32, #tpu.memory_space<hbm>> -> memref<1x40x256xf32, #tpu.memory_space<hbm>>
      %dma_start3A_554 = tpu.memref_squeeze %dma_start3A_553 : memref<1x40x256xf32, #tpu.memory_space<hbm>> -> memref<40x256xf32, #tpu.memory_space<hbm>>
      %dma_start3A_555 = arith.constant 240 : i32
      %dma_start3A_556 = arith.constant 0 : i32
      %dma_start3A_557 = tpu.memref_slice %arg5[%add3A, %dma_start3A_555, %dma_start3A_556] : memref<25x320x256xf32, #tpu.memory_space<hbm>> -> memref<1x40x256xf32, #tpu.memory_space<hbm>>
      %dma_start3A_558 = tpu.memref_squeeze %dma_start3A_557 : memref<1x40x256xf32, #tpu.memory_space<hbm>> -> memref<40x256xf32, #tpu.memory_space<hbm>>
      %dma_start3A_559 = arith.constant 240 : i32
      %dma_start3A_560 = arith.constant 0 : i32
      %dma_start3A_561 = tpu.memref_slice %arg9[%dma_start3A_559, %dma_start3A_560] : memref<320x256xf32, #tpu.memory_space<vmem>> -> memref<40x256xf32, #tpu.memory_space<vmem>>
      tpu.enqueue_dma source(%dma_start3A_561 : memref<40x256xf32, #tpu.memory_space<vmem>>) target(%dma_start3A_558 : memref<40x256xf32, #tpu.memory_space<hbm>>) target_semaphore(%arg19 : memref<!tpu.dma_semaphore, #tpu.memory_space<semaphore_mem>>)
      %dma_wait3A_562 = arith.constant 280 : i32
      %dma_wait3A_563 = arith.constant 0 : i32
      %dma_wait3A_564 = tpu.memref_slice %arg9[%dma_wait3A_562, %dma_wait3A_563] : memref<320x256xf32, #tpu.memory_space<vmem>> -> memref<40x256xf32, #tpu.memory_space<vmem>>
      %dma_wait3A_565 = arith.constant 280 : i32
      %dma_wait3A_566 = tpu.memref_slice %arg8[%dma_wait3A_565] : memref<320xi32, #tpu.memory_space<vmem>> -> memref<40xi32, #tpu.memory_space<vmem>>
      %dma_wait3A_567 = arith.constant 0 : i32
      %dma_wait3A_568 = arith.constant 0 : i32
      %dma_wait3A_569 = tpu.memref_slice %arg2[%dma_wait3A_567, %dma_wait3A_568] : memref<2000x256xf32, #tpu.memory_space<hbm>> -> memref<2000x256xf32, #tpu.memory_space<hbm>>
      tpu.wait_indirect_dma semaphore(%arg18 : memref<!tpu.dma_semaphore, #tpu.memory_space<semaphore_mem>>) src(%dma_wait3A_569 : memref<2000x256xf32, #tpu.memory_space<hbm>>) dst(%dma_wait3A_564 : memref<40x256xf32, #tpu.memory_space<vmem>>)
      %dma_start3A_570 = arith.constant 280 : i32
      %dma_start3A_571 = arith.constant 0 : i32
      %dma_start3A_572 = tpu.memref_slice %arg9[%dma_start3A_570, %dma_start3A_571] : memref<320x256xf32, #tpu.memory_space<vmem>> -> memref<40x256xf32, #tpu.memory_space<vmem>>
      %dma_start3A_573 = arith.constant 280 : i32
      %dma_start3A_574 = arith.constant 0 : i32
      %dma_start3A_575 = tpu.memref_slice %arg5[%add3A, %dma_start3A_573, %dma_start3A_574] : memref<25x320x256xf32, #tpu.memory_space<hbm>> -> memref<1x40x256xf32, #tpu.memory_space<hbm>>
      %dma_start3A_576 = tpu.memref_squeeze %dma_start3A_575 : memref<1x40x256xf32, #tpu.memory_space<hbm>> -> memref<40x256xf32, #tpu.memory_space<hbm>>
      %dma_start3A_577 = arith.constant 280 : i32
      %dma_start3A_578 = arith.constant 0 : i32
      %dma_start3A_579 = tpu.memref_slice %arg5[%add3A, %dma_start3A_577, %dma_start3A_578] : memref<25x320x256xf32, #tpu.memory_space<hbm>> -> memref<1x40x256xf32, #tpu.memory_space<hbm>>
      %dma_start3A_580 = tpu.memref_squeeze %dma_start3A_579 : memref<1x40x256xf32, #tpu.memory_space<hbm>> -> memref<40x256xf32, #tpu.memory_space<hbm>>
      %dma_start3A_581 = arith.constant 280 : i32
      %dma_start3A_582 = arith.constant 0 : i32
      %dma_start3A_583 = tpu.memref_slice %arg9[%dma_start3A_581, %dma_start3A_582] : memref<320x256xf32, #tpu.memory_space<vmem>> -> memref<40x256xf32, #tpu.memory_space<vmem>>
      tpu.enqueue_dma source(%dma_start3A_583 : memref<40x256xf32, #tpu.memory_space<vmem>>) target(%dma_start3A_580 : memref<40x256xf32, #tpu.memory_space<hbm>>) target_semaphore(%arg19 : memref<!tpu.dma_semaphore, #tpu.memory_space<semaphore_mem>>)
      %dma_wait3A_584 = arith.constant 0 : i32
      %dma_wait3A_585 = arith.constant 0 : i32
      %dma_wait3A_586 = tpu.memref_slice %arg9[%dma_wait3A_584, %dma_wait3A_585] : memref<320x256xf32, #tpu.memory_space<vmem>> -> memref<40x256xf32, #tpu.memory_space<vmem>>
      %dma_wait3A_587 = arith.constant 0 : i32
      %dma_wait3A_588 = arith.constant 0 : i32
      %dma_wait3A_589 = tpu.memref_slice %arg5[%add3A, %dma_wait3A_587, %dma_wait3A_588] : memref<25x320x256xf32, #tpu.memory_space<hbm>> -> memref<1x40x256xf32, #tpu.memory_space<hbm>>
      %dma_wait3A_590 = tpu.memref_squeeze %dma_wait3A_589 : memref<1x40x256xf32, #tpu.memory_space<hbm>> -> memref<40x256xf32, #tpu.memory_space<hbm>>
      %dma_wait3A_591 = arith.constant 0 : i32
      %dma_wait3A_592 = arith.constant 0 : i32
      %dma_wait3A_593 = tpu.memref_slice %arg5[%add3A, %dma_wait3A_591, %dma_wait3A_592] : memref<25x320x256xf32, #tpu.memory_space<hbm>> -> memref<1x40x256xf32, #tpu.memory_space<hbm>>
      %dma_wait3A_594 = tpu.memref_squeeze %dma_wait3A_593 : memref<1x40x256xf32, #tpu.memory_space<hbm>> -> memref<40x256xf32, #tpu.memory_space<hbm>>
      %dma_wait3A_595 = arith.constant 0 : i32
      %dma_wait3A_596 = arith.constant 0 : i32
      %dma_wait3A_597 = tpu.memref_slice %arg9[%dma_wait3A_595, %dma_wait3A_596] : memref<320x256xf32, #tpu.memory_space<vmem>> -> memref<40x256xf32, #tpu.memory_space<vmem>>
      tpu.wait_dma2 semaphore(%arg19 : memref<!tpu.dma_semaphore, #tpu.memory_space<semaphore_mem>>) src(%dma_wait3A_597 : memref<40x256xf32, #tpu.memory_space<vmem>>) dst(%dma_wait3A_594 : memref<40x256xf32, #tpu.memory_space<hbm>>)
      %dma_wait3A_598 = arith.constant 40 : i32
      %dma_wait3A_599 = arith.constant 0 : i32
      %dma_wait3A_600 = tpu.memref_slice %arg9[%dma_wait3A_598, %dma_wait3A_599] : memref<320x256xf32, #tpu.memory_space<vmem>> -> memref<40x256xf32, #tpu.memory_space<vmem>>
      %dma_wait3A_601 = arith.constant 40 : i32
      %dma_wait3A_602 = arith.constant 0 : i32
      %dma_wait3A_603 = tpu.memref_slice %arg5[%add3A, %dma_wait3A_601, %dma_wait3A_602] : memref<25x320x256xf32, #tpu.memory_space<hbm>> -> memref<1x40x256xf32, #tpu.memory_space<hbm>>
      %dma_wait3A_604 = tpu.memref_squeeze %dma_wait3A_603 : memref<1x40x256xf32, #tpu.memory_space<hbm>> -> memref<40x256xf32, #tpu.memory_space<hbm>>
      %dma_wait3A_605 = arith.constant 40 : i32
      %dma_wait3A_606 = arith.constant 0 : i32
      %dma_wait3A_607 = tpu.memref_slice %arg5[%add3A, %dma_wait3A_605, %dma_wait3A_606] : memref<25x320x256xf32, #tpu.memory_space<hbm>> -> memref<1x40x256xf32, #tpu.memory_space<hbm>>
      %dma_wait3A_608 = tpu.memref_squeeze %dma_wait3A_607 : memref<1x40x256xf32, #tpu.memory_space<hbm>> -> memref<40x256xf32, #tpu.memory_space<hbm>>
      %dma_wait3A_609 = arith.constant 40 : i32
      %dma_wait3A_610 = arith.constant 0 : i32
      %dma_wait3A_611 = tpu.memref_slice %arg9[%dma_wait3A_609, %dma_wait3A_610] : memref<320x256xf32, #tpu.memory_space<vmem>> -> memref<40x256xf32, #tpu.memory_space<vmem>>
      tpu.wait_dma2 semaphore(%arg19 : memref<!tpu.dma_semaphore, #tpu.memory_space<semaphore_mem>>) src(%dma_wait3A_611 : memref<40x256xf32, #tpu.memory_space<vmem>>) dst(%dma_wait3A_608 : memref<40x256xf32, #tpu.memory_space<hbm>>)
      %dma_wait3A_612 = arith.constant 80 : i32
      %dma_wait3A_613 = arith.constant 0 : i32
      %dma_wait3A_614 = tpu.memref_slice %arg9[%dma_wait3A_612, %dma_wait3A_613] : memref<320x256xf32, #tpu.memory_space<vmem>> -> memref<40x256xf32, #tpu.memory_space<vmem>>
      %dma_wait3A_615 = arith.constant 80 : i32
      %dma_wait3A_616 = arith.constant 0 : i32
      %dma_wait3A_617 = tpu.memref_slice %arg5[%add3A, %dma_wait3A_615, %dma_wait3A_616] : memref<25x320x256xf32, #tpu.memory_space<hbm>> -> memref<1x40x256xf32, #tpu.memory_space<hbm>>
      %dma_wait3A_618 = tpu.memref_squeeze %dma_wait3A_617 : memref<1x40x256xf32, #tpu.memory_space<hbm>> -> memref<40x256xf32, #tpu.memory_space<hbm>>
      %dma_wait3A_619 = arith.constant 80 : i32
      %dma_wait3A_620 = arith.constant 0 : i32
      %dma_wait3A_621 = tpu.memref_slice %arg5[%add3A, %dma_wait3A_619, %dma_wait3A_620] : memref<25x320x256xf32, #tpu.memory_space<hbm>> -> memref<1x40x256xf32, #tpu.memory_space<hbm>>
      %dma_wait3A_622 = tpu.memref_squeeze %dma_wait3A_621 : memref<1x40x256xf32, #tpu.memory_space<hbm>> -> memref<40x256xf32, #tpu.memory_space<hbm>>
      %dma_wait3A_623 = arith.constant 80 : i32
      %dma_wait3A_624 = arith.constant 0 : i32
      %dma_wait3A_625 = tpu.memref_slice %arg9[%dma_wait3A_623, %dma_wait3A_624] : memref<320x256xf32, #tpu.memory_space<vmem>> -> memref<40x256xf32, #tpu.memory_space<vmem>>
      tpu.wait_dma2 semaphore(%arg19 : memref<!tpu.dma_semaphore, #tpu.memory_space<semaphore_mem>>) src(%dma_wait3A_625 : memref<40x256xf32, #tpu.memory_space<vmem>>) dst(%dma_wait3A_622 : memref<40x256xf32, #tpu.memory_space<hbm>>)
      %dma_wait3A_626 = arith.constant 120 : i32
      %dma_wait3A_627 = arith.constant 0 : i32
      %dma_wait3A_628 = tpu.memref_slice %arg9[%dma_wait3A_626, %dma_wait3A_627] : memref<320x256xf32, #tpu.memory_space<vmem>> -> memref<40x256xf32, #tpu.memory_space<vmem>>
      %dma_wait3A_629 = arith.constant 120 : i32
      %dma_wait3A_630 = arith.constant 0 : i32
      %dma_wait3A_631 = tpu.memref_slice %arg5[%add3A, %dma_wait3A_629, %dma_wait3A_630] : memref<25x320x256xf32, #tpu.memory_space<hbm>> -> memref<1x40x256xf32, #tpu.memory_space<hbm>>
      %dma_wait3A_632 = tpu.memref_squeeze %dma_wait3A_631 : memref<1x40x256xf32, #tpu.memory_space<hbm>> -> memref<40x256xf32, #tpu.memory_space<hbm>>
      %dma_wait3A_633 = arith.constant 120 : i32
      %dma_wait3A_634 = arith.constant 0 : i32
      %dma_wait3A_635 = tpu.memref_slice %arg5[%add3A, %dma_wait3A_633, %dma_wait3A_634] : memref<25x320x256xf32, #tpu.memory_space<hbm>> -> memref<1x40x256xf32, #tpu.memory_space<hbm>>
      %dma_wait3A_636 = tpu.memref_squeeze %dma_wait3A_635 : memref<1x40x256xf32, #tpu.memory_space<hbm>> -> memref<40x256xf32, #tpu.memory_space<hbm>>
      %dma_wait3A_637 = arith.constant 120 : i32
      %dma_wait3A_638 = arith.constant 0 : i32
      %dma_wait3A_639 = tpu.memref_slice %arg9[%dma_wait3A_637, %dma_wait3A_638] : memref<320x256xf32, #tpu.memory_space<vmem>> -> memref<40x256xf32, #tpu.memory_space<vmem>>
      tpu.wait_dma2 semaphore(%arg19 : memref<!tpu.dma_semaphore, #tpu.memory_space<semaphore_mem>>) src(%dma_wait3A_639 : memref<40x256xf32, #tpu.memory_space<vmem>>) dst(%dma_wait3A_636 : memref<40x256xf32, #tpu.memory_space<hbm>>)
      %dma_wait3A_640 = arith.constant 160 : i32
      %dma_wait3A_641 = arith.constant 0 : i32
      %dma_wait3A_642 = tpu.memref_slice %arg9[%dma_wait3A_640, %dma_wait3A_641] : memref<320x256xf32, #tpu.memory_space<vmem>> -> memref<40x256xf32, #tpu.memory_space<vmem>>
      %dma_wait3A_643 = arith.constant 160 : i32
      %dma_wait3A_644 = arith.constant 0 : i32
      %dma_wait3A_645 = tpu.memref_slice %arg5[%add3A, %dma_wait3A_643, %dma_wait3A_644] : memref<25x320x256xf32, #tpu.memory_space<hbm>> -> memref<1x40x256xf32, #tpu.memory_space<hbm>>
      %dma_wait3A_646 = tpu.memref_squeeze %dma_wait3A_645 : memref<1x40x256xf32, #tpu.memory_space<hbm>> -> memref<40x256xf32, #tpu.memory_space<hbm>>
      %dma_wait3A_647 = arith.constant 160 : i32
      %dma_wait3A_648 = arith.constant 0 : i32
      %dma_wait3A_649 = tpu.memref_slice %arg5[%add3A, %dma_wait3A_647, %dma_wait3A_648] : memref<25x320x256xf32, #tpu.memory_space<hbm>> -> memref<1x40x256xf32, #tpu.memory_space<hbm>>
      %dma_wait3A_650 = tpu.memref_squeeze %dma_wait3A_649 : memref<1x40x256xf32, #tpu.memory_space<hbm>> -> memref<40x256xf32, #tpu.memory_space<hbm>>
      %dma_wait3A_651 = arith.constant 160 : i32
      %dma_wait3A_652 = arith.constant 0 : i32
      %dma_wait3A_653 = tpu.memref_slice %arg9[%dma_wait3A_651, %dma_wait3A_652] : memref<320x256xf32, #tpu.memory_space<vmem>> -> memref<40x256xf32, #tpu.memory_space<vmem>>
      tpu.wait_dma2 semaphore(%arg19 : memref<!tpu.dma_semaphore, #tpu.memory_space<semaphore_mem>>) src(%dma_wait3A_653 : memref<40x256xf32, #tpu.memory_space<vmem>>) dst(%dma_wait3A_650 : memref<40x256xf32, #tpu.memory_space<hbm>>)
      %dma_wait3A_654 = arith.constant 200 : i32
      %dma_wait3A_655 = arith.constant 0 : i32
      %dma_wait3A_656 = tpu.memref_slice %arg9[%dma_wait3A_654, %dma_wait3A_655] : memref<320x256xf32, #tpu.memory_space<vmem>> -> memref<40x256xf32, #tpu.memory_space<vmem>>
      %dma_wait3A_657 = arith.constant 200 : i32
      %dma_wait3A_658 = arith.constant 0 : i32
      %dma_wait3A_659 = tpu.memref_slice %arg5[%add3A, %dma_wait3A_657, %dma_wait3A_658] : memref<25x320x256xf32, #tpu.memory_space<hbm>> -> memref<1x40x256xf32, #tpu.memory_space<hbm>>
      %dma_wait3A_660 = tpu.memref_squeeze %dma_wait3A_659 : memref<1x40x256xf32, #tpu.memory_space<hbm>> -> memref<40x256xf32, #tpu.memory_space<hbm>>
      %dma_wait3A_661 = arith.constant 200 : i32
      %dma_wait3A_662 = arith.constant 0 : i32
      %dma_wait3A_663 = tpu.memref_slice %arg5[%add3A, %dma_wait3A_661, %dma_wait3A_662] : memref<25x320x256xf32, #tpu.memory_space<hbm>> -> memref<1x40x256xf32, #tpu.memory_space<hbm>>
      %dma_wait3A_664 = tpu.memref_squeeze %dma_wait3A_663 : memref<1x40x256xf32, #tpu.memory_space<hbm>> -> memref<40x256xf32, #tpu.memory_space<hbm>>
      %dma_wait3A_665 = arith.constant 200 : i32
      %dma_wait3A_666 = arith.constant 0 : i32
      %dma_wait3A_667 = tpu.memref_slice %arg9[%dma_wait3A_665, %dma_wait3A_666] : memref<320x256xf32, #tpu.memory_space<vmem>> -> memref<40x256xf32, #tpu.memory_space<vmem>>
      tpu.wait_dma2 semaphore(%arg19 : memref<!tpu.dma_semaphore, #tpu.memory_space<semaphore_mem>>) src(%dma_wait3A_667 : memref<40x256xf32, #tpu.memory_space<vmem>>) dst(%dma_wait3A_664 : memref<40x256xf32, #tpu.memory_space<hbm>>)
      %dma_wait3A_668 = arith.constant 240 : i32
      %dma_wait3A_669 = arith.constant 0 : i32
      %dma_wait3A_670 = tpu.memref_slice %arg9[%dma_wait3A_668, %dma_wait3A_669] : memref<320x256xf32, #tpu.memory_space<vmem>> -> memref<40x256xf32, #tpu.memory_space<vmem>>
      %dma_wait3A_671 = arith.constant 240 : i32
      %dma_wait3A_672 = arith.constant 0 : i32
      %dma_wait3A_673 = tpu.memref_slice %arg5[%add3A, %dma_wait3A_671, %dma_wait3A_672] : memref<25x320x256xf32, #tpu.memory_space<hbm>> -> memref<1x40x256xf32, #tpu.memory_space<hbm>>
      %dma_wait3A_674 = tpu.memref_squeeze %dma_wait3A_673 : memref<1x40x256xf32, #tpu.memory_space<hbm>> -> memref<40x256xf32, #tpu.memory_space<hbm>>
      %dma_wait3A_675 = arith.constant 240 : i32
      %dma_wait3A_676 = arith.constant 0 : i32
      %dma_wait3A_677 = tpu.memref_slice %arg5[%add3A, %dma_wait3A_675, %dma_wait3A_676] : memref<25x320x256xf32, #tpu.memory_space<hbm>> -> memref<1x40x256xf32, #tpu.memory_space<hbm>>
      %dma_wait3A_678 = tpu.memref_squeeze %dma_wait3A_677 : memref<1x40x256xf32, #tpu.memory_space<hbm>> -> memref<40x256xf32, #tpu.memory_space<hbm>>
      %dma_wait3A_679 = arith.constant 240 : i32
      %dma_wait3A_680 = arith.constant 0 : i32
      %dma_wait3A_681 = tpu.memref_slice %arg9[%dma_wait3A_679, %dma_wait3A_680] : memref<320x256xf32, #tpu.memory_space<vmem>> -> memref<40x256xf32, #tpu.memory_space<vmem>>
      tpu.wait_dma2 semaphore(%arg19 : memref<!tpu.dma_semaphore, #tpu.memory_space<semaphore_mem>>) src(%dma_wait3A_681 : memref<40x256xf32, #tpu.memory_space<vmem>>) dst(%dma_wait3A_678 : memref<40x256xf32, #tpu.memory_space<hbm>>)
      %dma_wait3A_682 = arith.constant 280 : i32
      %dma_wait3A_683 = arith.constant 0 : i32
      %dma_wait3A_684 = tpu.memref_slice %arg9[%dma_wait3A_682, %dma_wait3A_683] : memref<320x256xf32, #tpu.memory_space<vmem>> -> memref<40x256xf32, #tpu.memory_space<vmem>>
      %dma_wait3A_685 = arith.constant 280 : i32
      %dma_wait3A_686 = arith.constant 0 : i32
      %dma_wait3A_687 = tpu.memref_slice %arg5[%add3A, %dma_wait3A_685, %dma_wait3A_686] : memref<25x320x256xf32, #tpu.memory_space<hbm>> -> memref<1x40x256xf32, #tpu.memory_space<hbm>>
      %dma_wait3A_688 = tpu.memref_squeeze %dma_wait3A_687 : memref<1x40x256xf32, #tpu.memory_space<hbm>> -> memref<40x256xf32, #tpu.memory_space<hbm>>
      %dma_wait3A_689 = arith.constant 280 : i32
      %dma_wait3A_690 = arith.constant 0 : i32
      %dma_wait3A_691 = tpu.memref_slice %arg5[%add3A, %dma_wait3A_689, %dma_wait3A_690] : memref<25x320x256xf32, #tpu.memory_space<hbm>> -> memref<1x40x256xf32, #tpu.memory_space<hbm>>
      %dma_wait3A_692 = tpu.memref_squeeze %dma_wait3A_691 : memref<1x40x256xf32, #tpu.memory_space<hbm>> -> memref<40x256xf32, #tpu.memory_space<hbm>>
      %dma_wait3A_693 = arith.constant 280 : i32
      %dma_wait3A_694 = arith.constant 0 : i32
      %dma_wait3A_695 = tpu.memref_slice %arg9[%dma_wait3A_693, %dma_wait3A_694] : memref<320x256xf32, #tpu.memory_space<vmem>> -> memref<40x256xf32, #tpu.memory_space<vmem>>
      tpu.wait_dma2 semaphore(%arg19 : memref<!tpu.dma_semaphore, #tpu.memory_space<semaphore_mem>>) src(%dma_wait3A_695 : memref<40x256xf32, #tpu.memory_space<vmem>>) dst(%dma_wait3A_692 : memref<40x256xf32, #tpu.memory_space<hbm>>)
    } else {
    }
    return
  }
}

module attributes {stable_mosaic.version = 14 : i64} {
  func.func @_box_mask_body(%arg0: memref<16x100xf32, #tpu.memory_space<vmem>>, %arg1: memref<16x100xf32, #tpu.memory_space<vmem>>, %arg2: memref<16x100xf32, #tpu.memory_space<vmem>>, %arg3: memref<16x100xf32, #tpu.memory_space<vmem>>, %arg4: memref<16x500xf32, #tpu.memory_space<vmem>>, %arg5: memref<16x500xf32, #tpu.memory_space<vmem>>, %arg6: memref<16x500xf32, #tpu.memory_space<vmem>>, %arg7: memref<16x500xf32, #tpu.memory_space<vmem>>, %arg8: memref<16x500xf32, #tpu.memory_space<vmem>>, %arg9: memref<16x500xf32, #tpu.memory_space<vmem>>, %arg10: memref<16x500xf32, #tpu.memory_space<vmem>>, %arg11: memref<16x500xf32, #tpu.memory_space<vmem>>, %arg12: memref<800x800xi32, #tpu.memory_space<vmem>>) attributes {dimension_semantics = [], scalar_prefetch = 0 : i64, scratch_operands = 0 : i64, tpu.core_type = #tpu.core_type<tc>} {
    %get3A = arith.constant 0 : index
    %get3A_0 = arith.constant 0 : index
    %get3A_1 = vector.load %arg0[%get3A, %get3A_0] : memref<16x100xf32, #tpu.memory_space<vmem>>, vector<16x100xf32>
    %get3A_2 = arith.constant 0 : index
    %get3A_3 = arith.constant 0 : index
    %get3A_4 = vector.load %arg1[%get3A_2, %get3A_3] : memref<16x100xf32, #tpu.memory_space<vmem>>, vector<16x100xf32>
    %get3A_5 = arith.constant 0 : index
    %get3A_6 = arith.constant 0 : index
    %get3A_7 = vector.load %arg2[%get3A_5, %get3A_6] : memref<16x100xf32, #tpu.memory_space<vmem>>, vector<16x100xf32>
    %get3A_8 = arith.constant 0 : index
    %get3A_9 = arith.constant 0 : index
    %get3A_10 = vector.load %arg3[%get3A_8, %get3A_9] : memref<16x100xf32, #tpu.memory_space<vmem>>, vector<16x100xf32>
    %mul3A = arith.constant 5.000000e-01 : f32
    %mul3A_11 = vector.broadcast %mul3A : f32 to vector<16x100xf32>
    %mul3A_12 = arith.mulf %get3A_7, %mul3A_11 : vector<16x100xf32>
    %mul3A_13 = arith.constant 5.000000e-01 : f32
    %mul3A_14 = vector.broadcast %mul3A_13 : f32 to vector<16x100xf32>
    %mul3A_15 = arith.mulf %get3A_10, %mul3A_14 : vector<16x100xf32>
    %get3A_16 = arith.constant 0 : index
    %get3A_17 = arith.constant 0 : index
    %get3A_18 = vector.load %arg4[%get3A_16, %get3A_17] : memref<16x500xf32, #tpu.memory_space<vmem>>, vector<16x100xf32>
    %mul3A_19 = arith.mulf %get3A_18, %mul3A_12 : vector<16x100xf32>
    %mul3A_20 = arith.constant 4.000000e-01 : f32
    %mul3A_21 = vector.broadcast %mul3A_20 : f32 to vector<16x100xf32>
    %mul3A_22 = arith.mulf %mul3A_19, %mul3A_21 : vector<16x100xf32>
    %add3A = arith.addf %get3A_1, %mul3A_22 : vector<16x100xf32>
    %jit3A = arith.constant 0.000000e+00 : f32
    %jit3A_23 = arith.constant 1.000000e+00 : f32
    %max3A = vector.broadcast %jit3A : f32 to vector<16x100xf32>
    %max3A_24 = arith.maximumf %max3A, %add3A : vector<16x100xf32>
    %min3A = vector.broadcast %jit3A_23 : f32 to vector<16x100xf32>
    %min3A_25 = arith.minimumf %min3A, %max3A_24 : vector<16x100xf32>
    %jit3A_26 = arith.constant 9.99999974E-6 : f32
    %jit3A_27 = arith.constant 0.999989986 : f32
    %max3A_28 = vector.broadcast %jit3A_26 : f32 to vector<16x100xf32>
    %max3A_29 = arith.maximumf %max3A_28, %min3A_25 : vector<16x100xf32>
    %min3A_30 = vector.broadcast %jit3A_27 : f32 to vector<16x100xf32>
    %min3A_31 = arith.minimumf %min3A_30, %max3A_29 : vector<16x100xf32>
    %sub3A = arith.constant 1.000000e+00 : f32
    %sub3A_32 = vector.broadcast %sub3A : f32 to vector<16x100xf32>
    %sub3A_33 = arith.subf %sub3A_32, %min3A_31 : vector<16x100xf32>
    %div3A = arith.divf %min3A_31, %sub3A_33 : vector<16x100xf32>
    %log3A = math.log %div3A : vector<16x100xf32>
    %swap3A = arith.constant 0 : index
    %swap3A_34 = arith.constant 0 : index
    %swap3A_35 = vector.load %arg8[%swap3A, %swap3A_34] : memref<16x500xf32, #tpu.memory_space<vmem>>, vector<16x100xf32>
    tpu.vector_store %arg8[%swap3A, %swap3A_34], %log3A {strides = array<i32>} : memref<16x500xf32, #tpu.memory_space<vmem>>, vector<16x100xf32>,
    %get3A_36 = arith.constant 0 : index
    %get3A_37 = arith.constant 0 : index
    %get3A_38 = vector.load %arg5[%get3A_36, %get3A_37] : memref<16x500xf32, #tpu.memory_space<vmem>>, vector<16x100xf32>
    %mul3A_39 = arith.mulf %get3A_38, %mul3A_15 : vector<16x100xf32>
    %mul3A_40 = arith.constant 4.000000e-01 : f32
    %mul3A_41 = vector.broadcast %mul3A_40 : f32 to vector<16x100xf32>
    %mul3A_42 = arith.mulf %mul3A_39, %mul3A_41 : vector<16x100xf32>
    %add3A_43 = arith.addf %get3A_4, %mul3A_42 : vector<16x100xf32>
    %jit3A_44 = arith.constant 0.000000e+00 : f32
    %jit3A_45 = arith.constant 1.000000e+00 : f32
    %max3A_46 = vector.broadcast %jit3A_44 : f32 to vector<16x100xf32>
    %max3A_47 = arith.maximumf %max3A_46, %add3A_43 : vector<16x100xf32>
    %min3A_48 = vector.broadcast %jit3A_45 : f32 to vector<16x100xf32>
    %min3A_49 = arith.minimumf %min3A_48, %max3A_47 : vector<16x100xf32>
    %jit3A_50 = arith.constant 9.99999974E-6 : f32
    %jit3A_51 = arith.constant 0.999989986 : f32
    %max3A_52 = vector.broadcast %jit3A_50 : f32 to vector<16x100xf32>
    %max3A_53 = arith.maximumf %max3A_52, %min3A_49 : vector<16x100xf32>
    %min3A_54 = vector.broadcast %jit3A_51 : f32 to vector<16x100xf32>
    %min3A_55 = arith.minimumf %min3A_54, %max3A_53 : vector<16x100xf32>
    %sub3A_56 = arith.constant 1.000000e+00 : f32
    %sub3A_57 = vector.broadcast %sub3A_56 : f32 to vector<16x100xf32>
    %sub3A_58 = arith.subf %sub3A_57, %min3A_55 : vector<16x100xf32>
    %div3A_59 = arith.divf %min3A_55, %sub3A_58 : vector<16x100xf32>
    %log3A_60 = math.log %div3A_59 : vector<16x100xf32>
    %swap3A_61 = arith.constant 0 : index
    %swap3A_62 = arith.constant 0 : index
    %swap3A_63 = vector.load %arg9[%swap3A_61, %swap3A_62] : memref<16x500xf32, #tpu.memory_space<vmem>>, vector<16x100xf32>
    tpu.vector_store %arg9[%swap3A_61, %swap3A_62], %log3A_60 {strides = array<i32>} : memref<16x500xf32, #tpu.memory_space<vmem>>, vector<16x100xf32>,
    %get3A_64 = arith.constant 0 : index
    %get3A_65 = arith.constant 0 : index
    %get3A_66 = vector.load %arg6[%get3A_64, %get3A_65] : memref<16x500xf32, #tpu.memory_space<vmem>>, vector<16x100xf32>
    %mul3A_67 = arith.mulf %get3A_66, %get3A_7 : vector<16x100xf32>
    %mul3A_68 = arith.constant 4.000000e-01 : f32
    %mul3A_69 = vector.broadcast %mul3A_68 : f32 to vector<16x100xf32>
    %mul3A_70 = arith.mulf %mul3A_67, %mul3A_69 : vector<16x100xf32>
    %add3A_71 = arith.addf %get3A_7, %mul3A_70 : vector<16x100xf32>
    %jit3A_72 = arith.constant 0.000000e+00 : f32
    %jit3A_73 = arith.constant 1.000000e+00 : f32
    %max3A_74 = vector.broadcast %jit3A_72 : f32 to vector<16x100xf32>
    %max3A_75 = arith.maximumf %max3A_74, %add3A_71 : vector<16x100xf32>
    %min3A_76 = vector.broadcast %jit3A_73 : f32 to vector<16x100xf32>
    %min3A_77 = arith.minimumf %min3A_76, %max3A_75 : vector<16x100xf32>
    %jit3A_78 = arith.constant 9.99999974E-6 : f32
    %jit3A_79 = arith.constant 0.999989986 : f32
    %max3A_80 = vector.broadcast %jit3A_78 : f32 to vector<16x100xf32>
    %max3A_81 = arith.maximumf %max3A_80, %min3A_77 : vector<16x100xf32>
    %min3A_82 = vector.broadcast %jit3A_79 : f32 to vector<16x100xf32>
    %min3A_83 = arith.minimumf %min3A_82, %max3A_81 : vector<16x100xf32>
    %sub3A_84 = arith.constant 1.000000e+00 : f32
    %sub3A_85 = vector.broadcast %sub3A_84 : f32 to vector<16x100xf32>
    %sub3A_86 = arith.subf %sub3A_85, %min3A_83 : vector<16x100xf32>
    %div3A_87 = arith.divf %min3A_83, %sub3A_86 : vector<16x100xf32>
    %log3A_88 = math.log %div3A_87 : vector<16x100xf32>
    %swap3A_89 = arith.constant 0 : index
    %swap3A_90 = arith.constant 0 : index
    %swap3A_91 = vector.load %arg10[%swap3A_89, %swap3A_90] : memref<16x500xf32, #tpu.memory_space<vmem>>, vector<16x100xf32>
    tpu.vector_store %arg10[%swap3A_89, %swap3A_90], %log3A_88 {strides = array<i32>} : memref<16x500xf32, #tpu.memory_space<vmem>>, vector<16x100xf32>,
    %get3A_92 = arith.constant 0 : index
    %get3A_93 = arith.constant 0 : index
    %get3A_94 = vector.load %arg7[%get3A_92, %get3A_93] : memref<16x500xf32, #tpu.memory_space<vmem>>, vector<16x100xf32>
    %mul3A_95 = arith.mulf %get3A_94, %get3A_10 : vector<16x100xf32>
    %mul3A_96 = arith.constant 4.000000e-01 : f32
    %mul3A_97 = vector.broadcast %mul3A_96 : f32 to vector<16x100xf32>
    %mul3A_98 = arith.mulf %mul3A_95, %mul3A_97 : vector<16x100xf32>
    %add3A_99 = arith.addf %get3A_10, %mul3A_98 : vector<16x100xf32>
    %jit3A_100 = arith.constant 0.000000e+00 : f32
    %jit3A_101 = arith.constant 1.000000e+00 : f32
    %max3A_102 = vector.broadcast %jit3A_100 : f32 to vector<16x100xf32>
    %max3A_103 = arith.maximumf %max3A_102, %add3A_99 : vector<16x100xf32>
    %min3A_104 = vector.broadcast %jit3A_101 : f32 to vector<16x100xf32>
    %min3A_105 = arith.minimumf %min3A_104, %max3A_103 : vector<16x100xf32>
    %jit3A_106 = arith.constant 9.99999974E-6 : f32
    %jit3A_107 = arith.constant 0.999989986 : f32
    %max3A_108 = vector.broadcast %jit3A_106 : f32 to vector<16x100xf32>
    %max3A_109 = arith.maximumf %max3A_108, %min3A_105 : vector<16x100xf32>
    %min3A_110 = vector.broadcast %jit3A_107 : f32 to vector<16x100xf32>
    %min3A_111 = arith.minimumf %min3A_110, %max3A_109 : vector<16x100xf32>
    %sub3A_112 = arith.constant 1.000000e+00 : f32
    %sub3A_113 = vector.broadcast %sub3A_112 : f32 to vector<16x100xf32>
    %sub3A_114 = arith.subf %sub3A_113, %min3A_111 : vector<16x100xf32>
    %div3A_115 = arith.divf %min3A_111, %sub3A_114 : vector<16x100xf32>
    %log3A_116 = math.log %div3A_115 : vector<16x100xf32>
    %swap3A_117 = arith.constant 0 : index
    %swap3A_118 = arith.constant 0 : index
    %swap3A_119 = vector.load %arg11[%swap3A_117, %swap3A_118] : memref<16x500xf32, #tpu.memory_space<vmem>>, vector<16x100xf32>
    tpu.vector_store %arg11[%swap3A_117, %swap3A_118], %log3A_116 {strides = array<i32>} : memref<16x500xf32, #tpu.memory_space<vmem>>, vector<16x100xf32>,
    %get3A_120 = arith.constant 0 : index
    %get3A_121 = arith.constant 100 : index
    %get3A_122 = vector.load %arg4[%get3A_120, %get3A_121] : memref<16x500xf32, #tpu.memory_space<vmem>>, vector<16x100xf32>
    %mul3A_123 = arith.mulf %get3A_122, %mul3A_12 : vector<16x100xf32>
    %mul3A_124 = arith.constant 4.000000e-01 : f32
    %mul3A_125 = vector.broadcast %mul3A_124 : f32 to vector<16x100xf32>
    %mul3A_126 = arith.mulf %mul3A_123, %mul3A_125 : vector<16x100xf32>
    %add3A_127 = arith.addf %get3A_1, %mul3A_126 : vector<16x100xf32>
    %jit3A_128 = arith.constant 0.000000e+00 : f32
    %jit3A_129 = arith.constant 1.000000e+00 : f32
    %max3A_130 = vector.broadcast %jit3A_128 : f32 to vector<16x100xf32>
    %max3A_131 = arith.maximumf %max3A_130, %add3A_127 : vector<16x100xf32>
    %min3A_132 = vector.broadcast %jit3A_129 : f32 to vector<16x100xf32>
    %min3A_133 = arith.minimumf %min3A_132, %max3A_131 : vector<16x100xf32>
    %jit3A_134 = arith.constant 9.99999974E-6 : f32
    %jit3A_135 = arith.constant 0.999989986 : f32
    %max3A_136 = vector.broadcast %jit3A_134 : f32 to vector<16x100xf32>
    %max3A_137 = arith.maximumf %max3A_136, %min3A_133 : vector<16x100xf32>
    %min3A_138 = vector.broadcast %jit3A_135 : f32 to vector<16x100xf32>
    %min3A_139 = arith.minimumf %min3A_138, %max3A_137 : vector<16x100xf32>
    %sub3A_140 = arith.constant 1.000000e+00 : f32
    %sub3A_141 = vector.broadcast %sub3A_140 : f32 to vector<16x100xf32>
    %sub3A_142 = arith.subf %sub3A_141, %min3A_139 : vector<16x100xf32>
    %div3A_143 = arith.divf %min3A_139, %sub3A_142 : vector<16x100xf32>
    %log3A_144 = math.log %div3A_143 : vector<16x100xf32>
    %swap3A_145 = arith.constant 0 : index
    %swap3A_146 = arith.constant 100 : index
    %swap3A_147 = vector.load %arg8[%swap3A_145, %swap3A_146] : memref<16x500xf32, #tpu.memory_space<vmem>>, vector<16x100xf32>
    tpu.vector_store %arg8[%swap3A_145, %swap3A_146], %log3A_144 {strides = array<i32>} : memref<16x500xf32, #tpu.memory_space<vmem>>, vector<16x100xf32>,
    %get3A_148 = arith.constant 0 : index
    %get3A_149 = arith.constant 100 : index
    %get3A_150 = vector.load %arg5[%get3A_148, %get3A_149] : memref<16x500xf32, #tpu.memory_space<vmem>>, vector<16x100xf32>
    %mul3A_151 = arith.mulf %get3A_150, %mul3A_15 : vector<16x100xf32>
    %mul3A_152 = arith.constant 4.000000e-01 : f32
    %mul3A_153 = vector.broadcast %mul3A_152 : f32 to vector<16x100xf32>
    %mul3A_154 = arith.mulf %mul3A_151, %mul3A_153 : vector<16x100xf32>
    %add3A_155 = arith.addf %get3A_4, %mul3A_154 : vector<16x100xf32>
    %jit3A_156 = arith.constant 0.000000e+00 : f32
    %jit3A_157 = arith.constant 1.000000e+00 : f32
    %max3A_158 = vector.broadcast %jit3A_156 : f32 to vector<16x100xf32>
    %max3A_159 = arith.maximumf %max3A_158, %add3A_155 : vector<16x100xf32>
    %min3A_160 = vector.broadcast %jit3A_157 : f32 to vector<16x100xf32>
    %min3A_161 = arith.minimumf %min3A_160, %max3A_159 : vector<16x100xf32>
    %jit3A_162 = arith.constant 9.99999974E-6 : f32
    %jit3A_163 = arith.constant 0.999989986 : f32
    %max3A_164 = vector.broadcast %jit3A_162 : f32 to vector<16x100xf32>
    %max3A_165 = arith.maximumf %max3A_164, %min3A_161 : vector<16x100xf32>
    %min3A_166 = vector.broadcast %jit3A_163 : f32 to vector<16x100xf32>
    %min3A_167 = arith.minimumf %min3A_166, %max3A_165 : vector<16x100xf32>
    %sub3A_168 = arith.constant 1.000000e+00 : f32
    %sub3A_169 = vector.broadcast %sub3A_168 : f32 to vector<16x100xf32>
    %sub3A_170 = arith.subf %sub3A_169, %min3A_167 : vector<16x100xf32>
    %div3A_171 = arith.divf %min3A_167, %sub3A_170 : vector<16x100xf32>
    %log3A_172 = math.log %div3A_171 : vector<16x100xf32>
    %swap3A_173 = arith.constant 0 : index
    %swap3A_174 = arith.constant 100 : index
    %swap3A_175 = vector.load %arg9[%swap3A_173, %swap3A_174] : memref<16x500xf32, #tpu.memory_space<vmem>>, vector<16x100xf32>
    tpu.vector_store %arg9[%swap3A_173, %swap3A_174], %log3A_172 {strides = array<i32>} : memref<16x500xf32, #tpu.memory_space<vmem>>, vector<16x100xf32>,
    %get3A_176 = arith.constant 0 : index
    %get3A_177 = arith.constant 100 : index
    %get3A_178 = vector.load %arg6[%get3A_176, %get3A_177] : memref<16x500xf32, #tpu.memory_space<vmem>>, vector<16x100xf32>
    %mul3A_179 = arith.mulf %get3A_178, %get3A_7 : vector<16x100xf32>
    %mul3A_180 = arith.constant 4.000000e-01 : f32
    %mul3A_181 = vector.broadcast %mul3A_180 : f32 to vector<16x100xf32>
    %mul3A_182 = arith.mulf %mul3A_179, %mul3A_181 : vector<16x100xf32>
    %add3A_183 = arith.addf %get3A_7, %mul3A_182 : vector<16x100xf32>
    %jit3A_184 = arith.constant 0.000000e+00 : f32
    %jit3A_185 = arith.constant 1.000000e+00 : f32
    %max3A_186 = vector.broadcast %jit3A_184 : f32 to vector<16x100xf32>
    %max3A_187 = arith.maximumf %max3A_186, %add3A_183 : vector<16x100xf32>
    %min3A_188 = vector.broadcast %jit3A_185 : f32 to vector<16x100xf32>
    %min3A_189 = arith.minimumf %min3A_188, %max3A_187 : vector<16x100xf32>
    %jit3A_190 = arith.constant 9.99999974E-6 : f32
    %jit3A_191 = arith.constant 0.999989986 : f32
    %max3A_192 = vector.broadcast %jit3A_190 : f32 to vector<16x100xf32>
    %max3A_193 = arith.maximumf %max3A_192, %min3A_189 : vector<16x100xf32>
    %min3A_194 = vector.broadcast %jit3A_191 : f32 to vector<16x100xf32>
    %min3A_195 = arith.minimumf %min3A_194, %max3A_193 : vector<16x100xf32>
    %sub3A_196 = arith.constant 1.000000e+00 : f32
    %sub3A_197 = vector.broadcast %sub3A_196 : f32 to vector<16x100xf32>
    %sub3A_198 = arith.subf %sub3A_197, %min3A_195 : vector<16x100xf32>
    %div3A_199 = arith.divf %min3A_195, %sub3A_198 : vector<16x100xf32>
    %log3A_200 = math.log %div3A_199 : vector<16x100xf32>
    %swap3A_201 = arith.constant 0 : index
    %swap3A_202 = arith.constant 100 : index
    %swap3A_203 = vector.load %arg10[%swap3A_201, %swap3A_202] : memref<16x500xf32, #tpu.memory_space<vmem>>, vector<16x100xf32>
    tpu.vector_store %arg10[%swap3A_201, %swap3A_202], %log3A_200 {strides = array<i32>} : memref<16x500xf32, #tpu.memory_space<vmem>>, vector<16x100xf32>,
    %get3A_204 = arith.constant 0 : index
    %get3A_205 = arith.constant 100 : index
    %get3A_206 = vector.load %arg7[%get3A_204, %get3A_205] : memref<16x500xf32, #tpu.memory_space<vmem>>, vector<16x100xf32>
    %mul3A_207 = arith.mulf %get3A_206, %get3A_10 : vector<16x100xf32>
    %mul3A_208 = arith.constant 4.000000e-01 : f32
    %mul3A_209 = vector.broadcast %mul3A_208 : f32 to vector<16x100xf32>
    %mul3A_210 = arith.mulf %mul3A_207, %mul3A_209 : vector<16x100xf32>
    %add3A_211 = arith.addf %get3A_10, %mul3A_210 : vector<16x100xf32>
    %jit3A_212 = arith.constant 0.000000e+00 : f32
    %jit3A_213 = arith.constant 1.000000e+00 : f32
    %max3A_214 = vector.broadcast %jit3A_212 : f32 to vector<16x100xf32>
    %max3A_215 = arith.maximumf %max3A_214, %add3A_211 : vector<16x100xf32>
    %min3A_216 = vector.broadcast %jit3A_213 : f32 to vector<16x100xf32>
    %min3A_217 = arith.minimumf %min3A_216, %max3A_215 : vector<16x100xf32>
    %jit3A_218 = arith.constant 9.99999974E-6 : f32
    %jit3A_219 = arith.constant 0.999989986 : f32
    %max3A_220 = vector.broadcast %jit3A_218 : f32 to vector<16x100xf32>
    %max3A_221 = arith.maximumf %max3A_220, %min3A_217 : vector<16x100xf32>
    %min3A_222 = vector.broadcast %jit3A_219 : f32 to vector<16x100xf32>
    %min3A_223 = arith.minimumf %min3A_222, %max3A_221 : vector<16x100xf32>
    %sub3A_224 = arith.constant 1.000000e+00 : f32
    %sub3A_225 = vector.broadcast %sub3A_224 : f32 to vector<16x100xf32>
    %sub3A_226 = arith.subf %sub3A_225, %min3A_223 : vector<16x100xf32>
    %div3A_227 = arith.divf %min3A_223, %sub3A_226 : vector<16x100xf32>
    %log3A_228 = math.log %div3A_227 : vector<16x100xf32>
    %swap3A_229 = arith.constant 0 : index
    %swap3A_230 = arith.constant 100 : index
    %swap3A_231 = vector.load %arg11[%swap3A_229, %swap3A_230] : memref<16x500xf32, #tpu.memory_space<vmem>>, vector<16x100xf32>
    tpu.vector_store %arg11[%swap3A_229, %swap3A_230], %log3A_228 {strides = array<i32>} : memref<16x500xf32, #tpu.memory_space<vmem>>, vector<16x100xf32>,
    %get3A_232 = arith.constant 0 : index
    %get3A_233 = arith.constant 200 : index
    %get3A_234 = vector.load %arg4[%get3A_232, %get3A_233] : memref<16x500xf32, #tpu.memory_space<vmem>>, vector<16x100xf32>
    %mul3A_235 = arith.mulf %get3A_234, %mul3A_12 : vector<16x100xf32>
    %mul3A_236 = arith.constant 4.000000e-01 : f32
    %mul3A_237 = vector.broadcast %mul3A_236 : f32 to vector<16x100xf32>
    %mul3A_238 = arith.mulf %mul3A_235, %mul3A_237 : vector<16x100xf32>
    %add3A_239 = arith.addf %get3A_1, %mul3A_238 : vector<16x100xf32>
    %jit3A_240 = arith.constant 0.000000e+00 : f32
    %jit3A_241 = arith.constant 1.000000e+00 : f32
    %max3A_242 = vector.broadcast %jit3A_240 : f32 to vector<16x100xf32>
    %max3A_243 = arith.maximumf %max3A_242, %add3A_239 : vector<16x100xf32>
    %min3A_244 = vector.broadcast %jit3A_241 : f32 to vector<16x100xf32>
    %min3A_245 = arith.minimumf %min3A_244, %max3A_243 : vector<16x100xf32>
    %jit3A_246 = arith.constant 9.99999974E-6 : f32
    %jit3A_247 = arith.constant 0.999989986 : f32
    %max3A_248 = vector.broadcast %jit3A_246 : f32 to vector<16x100xf32>
    %max3A_249 = arith.maximumf %max3A_248, %min3A_245 : vector<16x100xf32>
    %min3A_250 = vector.broadcast %jit3A_247 : f32 to vector<16x100xf32>
    %min3A_251 = arith.minimumf %min3A_250, %max3A_249 : vector<16x100xf32>
    %sub3A_252 = arith.constant 1.000000e+00 : f32
    %sub3A_253 = vector.broadcast %sub3A_252 : f32 to vector<16x100xf32>
    %sub3A_254 = arith.subf %sub3A_253, %min3A_251 : vector<16x100xf32>
    %div3A_255 = arith.divf %min3A_251, %sub3A_254 : vector<16x100xf32>
    %log3A_256 = math.log %div3A_255 : vector<16x100xf32>
    %swap3A_257 = arith.constant 0 : index
    %swap3A_258 = arith.constant 200 : index
    %swap3A_259 = vector.load %arg8[%swap3A_257, %swap3A_258] : memref<16x500xf32, #tpu.memory_space<vmem>>, vector<16x100xf32>
    tpu.vector_store %arg8[%swap3A_257, %swap3A_258], %log3A_256 {strides = array<i32>} : memref<16x500xf32, #tpu.memory_space<vmem>>, vector<16x100xf32>,
    %get3A_260 = arith.constant 0 : index
    %get3A_261 = arith.constant 200 : index
    %get3A_262 = vector.load %arg5[%get3A_260, %get3A_261] : memref<16x500xf32, #tpu.memory_space<vmem>>, vector<16x100xf32>
    %mul3A_263 = arith.mulf %get3A_262, %mul3A_15 : vector<16x100xf32>
    %mul3A_264 = arith.constant 4.000000e-01 : f32
    %mul3A_265 = vector.broadcast %mul3A_264 : f32 to vector<16x100xf32>
    %mul3A_266 = arith.mulf %mul3A_263, %mul3A_265 : vector<16x100xf32>
    %add3A_267 = arith.addf %get3A_4, %mul3A_266 : vector<16x100xf32>
    %jit3A_268 = arith.constant 0.000000e+00 : f32
    %jit3A_269 = arith.constant 1.000000e+00 : f32
    %max3A_270 = vector.broadcast %jit3A_268 : f32 to vector<16x100xf32>
    %max3A_271 = arith.maximumf %max3A_270, %add3A_267 : vector<16x100xf32>
    %min3A_272 = vector.broadcast %jit3A_269 : f32 to vector<16x100xf32>
    %min3A_273 = arith.minimumf %min3A_272, %max3A_271 : vector<16x100xf32>
    %jit3A_274 = arith.constant 9.99999974E-6 : f32
    %jit3A_275 = arith.constant 0.999989986 : f32
    %max3A_276 = vector.broadcast %jit3A_274 : f32 to vector<16x100xf32>
    %max3A_277 = arith.maximumf %max3A_276, %min3A_273 : vector<16x100xf32>
    %min3A_278 = vector.broadcast %jit3A_275 : f32 to vector<16x100xf32>
    %min3A_279 = arith.minimumf %min3A_278, %max3A_277 : vector<16x100xf32>
    %sub3A_280 = arith.constant 1.000000e+00 : f32
    %sub3A_281 = vector.broadcast %sub3A_280 : f32 to vector<16x100xf32>
    %sub3A_282 = arith.subf %sub3A_281, %min3A_279 : vector<16x100xf32>
    %div3A_283 = arith.divf %min3A_279, %sub3A_282 : vector<16x100xf32>
    %log3A_284 = math.log %div3A_283 : vector<16x100xf32>
    %swap3A_285 = arith.constant 0 : index
    %swap3A_286 = arith.constant 200 : index
    %swap3A_287 = vector.load %arg9[%swap3A_285, %swap3A_286] : memref<16x500xf32, #tpu.memory_space<vmem>>, vector<16x100xf32>
    tpu.vector_store %arg9[%swap3A_285, %swap3A_286], %log3A_284 {strides = array<i32>} : memref<16x500xf32, #tpu.memory_space<vmem>>, vector<16x100xf32>,
    %get3A_288 = arith.constant 0 : index
    %get3A_289 = arith.constant 200 : index
    %get3A_290 = vector.load %arg6[%get3A_288, %get3A_289] : memref<16x500xf32, #tpu.memory_space<vmem>>, vector<16x100xf32>
    %mul3A_291 = arith.mulf %get3A_290, %get3A_7 : vector<16x100xf32>
    %mul3A_292 = arith.constant 4.000000e-01 : f32
    %mul3A_293 = vector.broadcast %mul3A_292 : f32 to vector<16x100xf32>
    %mul3A_294 = arith.mulf %mul3A_291, %mul3A_293 : vector<16x100xf32>
    %add3A_295 = arith.addf %get3A_7, %mul3A_294 : vector<16x100xf32>
    %jit3A_296 = arith.constant 0.000000e+00 : f32
    %jit3A_297 = arith.constant 1.000000e+00 : f32
    %max3A_298 = vector.broadcast %jit3A_296 : f32 to vector<16x100xf32>
    %max3A_299 = arith.maximumf %max3A_298, %add3A_295 : vector<16x100xf32>
    %min3A_300 = vector.broadcast %jit3A_297 : f32 to vector<16x100xf32>
    %min3A_301 = arith.minimumf %min3A_300, %max3A_299 : vector<16x100xf32>
    %jit3A_302 = arith.constant 9.99999974E-6 : f32
    %jit3A_303 = arith.constant 0.999989986 : f32
    %max3A_304 = vector.broadcast %jit3A_302 : f32 to vector<16x100xf32>
    %max3A_305 = arith.maximumf %max3A_304, %min3A_301 : vector<16x100xf32>
    %min3A_306 = vector.broadcast %jit3A_303 : f32 to vector<16x100xf32>
    %min3A_307 = arith.minimumf %min3A_306, %max3A_305 : vector<16x100xf32>
    %sub3A_308 = arith.constant 1.000000e+00 : f32
    %sub3A_309 = vector.broadcast %sub3A_308 : f32 to vector<16x100xf32>
    %sub3A_310 = arith.subf %sub3A_309, %min3A_307 : vector<16x100xf32>
    %div3A_311 = arith.divf %min3A_307, %sub3A_310 : vector<16x100xf32>
    %log3A_312 = math.log %div3A_311 : vector<16x100xf32>
    %swap3A_313 = arith.constant 0 : index
    %swap3A_314 = arith.constant 200 : index
    %swap3A_315 = vector.load %arg10[%swap3A_313, %swap3A_314] : memref<16x500xf32, #tpu.memory_space<vmem>>, vector<16x100xf32>
    tpu.vector_store %arg10[%swap3A_313, %swap3A_314], %log3A_312 {strides = array<i32>} : memref<16x500xf32, #tpu.memory_space<vmem>>, vector<16x100xf32>,
    %get3A_316 = arith.constant 0 : index
    %get3A_317 = arith.constant 200 : index
    %get3A_318 = vector.load %arg7[%get3A_316, %get3A_317] : memref<16x500xf32, #tpu.memory_space<vmem>>, vector<16x100xf32>
    %mul3A_319 = arith.mulf %get3A_318, %get3A_10 : vector<16x100xf32>
    %mul3A_320 = arith.constant 4.000000e-01 : f32
    %mul3A_321 = vector.broadcast %mul3A_320 : f32 to vector<16x100xf32>
    %mul3A_322 = arith.mulf %mul3A_319, %mul3A_321 : vector<16x100xf32>
    %add3A_323 = arith.addf %get3A_10, %mul3A_322 : vector<16x100xf32>
    %jit3A_324 = arith.constant 0.000000e+00 : f32
    %jit3A_325 = arith.constant 1.000000e+00 : f32
    %max3A_326 = vector.broadcast %jit3A_324 : f32 to vector<16x100xf32>
    %max3A_327 = arith.maximumf %max3A_326, %add3A_323 : vector<16x100xf32>
    %min3A_328 = vector.broadcast %jit3A_325 : f32 to vector<16x100xf32>
    %min3A_329 = arith.minimumf %min3A_328, %max3A_327 : vector<16x100xf32>
    %jit3A_330 = arith.constant 9.99999974E-6 : f32
    %jit3A_331 = arith.constant 0.999989986 : f32
    %max3A_332 = vector.broadcast %jit3A_330 : f32 to vector<16x100xf32>
    %max3A_333 = arith.maximumf %max3A_332, %min3A_329 : vector<16x100xf32>
    %min3A_334 = vector.broadcast %jit3A_331 : f32 to vector<16x100xf32>
    %min3A_335 = arith.minimumf %min3A_334, %max3A_333 : vector<16x100xf32>
    %sub3A_336 = arith.constant 1.000000e+00 : f32
    %sub3A_337 = vector.broadcast %sub3A_336 : f32 to vector<16x100xf32>
    %sub3A_338 = arith.subf %sub3A_337, %min3A_335 : vector<16x100xf32>
    %div3A_339 = arith.divf %min3A_335, %sub3A_338 : vector<16x100xf32>
    %log3A_340 = math.log %div3A_339 : vector<16x100xf32>
    %swap3A_341 = arith.constant 0 : index
    %swap3A_342 = arith.constant 200 : index
    %swap3A_343 = vector.load %arg11[%swap3A_341, %swap3A_342] : memref<16x500xf32, #tpu.memory_space<vmem>>, vector<16x100xf32>
    tpu.vector_store %arg11[%swap3A_341, %swap3A_342], %log3A_340 {strides = array<i32>} : memref<16x500xf32, #tpu.memory_space<vmem>>, vector<16x100xf32>,
    %get3A_344 = arith.constant 0 : index
    %get3A_345 = arith.constant 300 : index
    %get3A_346 = vector.load %arg4[%get3A_344, %get3A_345] : memref<16x500xf32, #tpu.memory_space<vmem>>, vector<16x100xf32>
    %mul3A_347 = arith.mulf %get3A_346, %mul3A_12 : vector<16x100xf32>
    %mul3A_348 = arith.constant 4.000000e-01 : f32
    %mul3A_349 = vector.broadcast %mul3A_348 : f32 to vector<16x100xf32>
    %mul3A_350 = arith.mulf %mul3A_347, %mul3A_349 : vector<16x100xf32>
    %add3A_351 = arith.addf %get3A_1, %mul3A_350 : vector<16x100xf32>
    %jit3A_352 = arith.constant 0.000000e+00 : f32
    %jit3A_353 = arith.constant 1.000000e+00 : f32
    %max3A_354 = vector.broadcast %jit3A_352 : f32 to vector<16x100xf32>
    %max3A_355 = arith.maximumf %max3A_354, %add3A_351 : vector<16x100xf32>
    %min3A_356 = vector.broadcast %jit3A_353 : f32 to vector<16x100xf32>
    %min3A_357 = arith.minimumf %min3A_356, %max3A_355 : vector<16x100xf32>
    %jit3A_358 = arith.constant 9.99999974E-6 : f32
    %jit3A_359 = arith.constant 0.999989986 : f32
    %max3A_360 = vector.broadcast %jit3A_358 : f32 to vector<16x100xf32>
    %max3A_361 = arith.maximumf %max3A_360, %min3A_357 : vector<16x100xf32>
    %min3A_362 = vector.broadcast %jit3A_359 : f32 to vector<16x100xf32>
    %min3A_363 = arith.minimumf %min3A_362, %max3A_361 : vector<16x100xf32>
    %sub3A_364 = arith.constant 1.000000e+00 : f32
    %sub3A_365 = vector.broadcast %sub3A_364 : f32 to vector<16x100xf32>
    %sub3A_366 = arith.subf %sub3A_365, %min3A_363 : vector<16x100xf32>
    %div3A_367 = arith.divf %min3A_363, %sub3A_366 : vector<16x100xf32>
    %log3A_368 = math.log %div3A_367 : vector<16x100xf32>
    %swap3A_369 = arith.constant 0 : index
    %swap3A_370 = arith.constant 300 : index
    %swap3A_371 = vector.load %arg8[%swap3A_369, %swap3A_370] : memref<16x500xf32, #tpu.memory_space<vmem>>, vector<16x100xf32>
    tpu.vector_store %arg8[%swap3A_369, %swap3A_370], %log3A_368 {strides = array<i32>} : memref<16x500xf32, #tpu.memory_space<vmem>>, vector<16x100xf32>,
    %get3A_372 = arith.constant 0 : index
    %get3A_373 = arith.constant 300 : index
    %get3A_374 = vector.load %arg5[%get3A_372, %get3A_373] : memref<16x500xf32, #tpu.memory_space<vmem>>, vector<16x100xf32>
    %mul3A_375 = arith.mulf %get3A_374, %mul3A_15 : vector<16x100xf32>
    %mul3A_376 = arith.constant 4.000000e-01 : f32
    %mul3A_377 = vector.broadcast %mul3A_376 : f32 to vector<16x100xf32>
    %mul3A_378 = arith.mulf %mul3A_375, %mul3A_377 : vector<16x100xf32>
    %add3A_379 = arith.addf %get3A_4, %mul3A_378 : vector<16x100xf32>
    %jit3A_380 = arith.constant 0.000000e+00 : f32
    %jit3A_381 = arith.constant 1.000000e+00 : f32
    %max3A_382 = vector.broadcast %jit3A_380 : f32 to vector<16x100xf32>
    %max3A_383 = arith.maximumf %max3A_382, %add3A_379 : vector<16x100xf32>
    %min3A_384 = vector.broadcast %jit3A_381 : f32 to vector<16x100xf32>
    %min3A_385 = arith.minimumf %min3A_384, %max3A_383 : vector<16x100xf32>
    %jit3A_386 = arith.constant 9.99999974E-6 : f32
    %jit3A_387 = arith.constant 0.999989986 : f32
    %max3A_388 = vector.broadcast %jit3A_386 : f32 to vector<16x100xf32>
    %max3A_389 = arith.maximumf %max3A_388, %min3A_385 : vector<16x100xf32>
    %min3A_390 = vector.broadcast %jit3A_387 : f32 to vector<16x100xf32>
    %min3A_391 = arith.minimumf %min3A_390, %max3A_389 : vector<16x100xf32>
    %sub3A_392 = arith.constant 1.000000e+00 : f32
    %sub3A_393 = vector.broadcast %sub3A_392 : f32 to vector<16x100xf32>
    %sub3A_394 = arith.subf %sub3A_393, %min3A_391 : vector<16x100xf32>
    %div3A_395 = arith.divf %min3A_391, %sub3A_394 : vector<16x100xf32>
    %log3A_396 = math.log %div3A_395 : vector<16x100xf32>
    %swap3A_397 = arith.constant 0 : index
    %swap3A_398 = arith.constant 300 : index
    %swap3A_399 = vector.load %arg9[%swap3A_397, %swap3A_398] : memref<16x500xf32, #tpu.memory_space<vmem>>, vector<16x100xf32>
    tpu.vector_store %arg9[%swap3A_397, %swap3A_398], %log3A_396 {strides = array<i32>} : memref<16x500xf32, #tpu.memory_space<vmem>>, vector<16x100xf32>,
    %get3A_400 = arith.constant 0 : index
    %get3A_401 = arith.constant 300 : index
    %get3A_402 = vector.load %arg6[%get3A_400, %get3A_401] : memref<16x500xf32, #tpu.memory_space<vmem>>, vector<16x100xf32>
    %mul3A_403 = arith.mulf %get3A_402, %get3A_7 : vector<16x100xf32>
    %mul3A_404 = arith.constant 4.000000e-01 : f32
    %mul3A_405 = vector.broadcast %mul3A_404 : f32 to vector<16x100xf32>
    %mul3A_406 = arith.mulf %mul3A_403, %mul3A_405 : vector<16x100xf32>
    %add3A_407 = arith.addf %get3A_7, %mul3A_406 : vector<16x100xf32>
    %jit3A_408 = arith.constant 0.000000e+00 : f32
    %jit3A_409 = arith.constant 1.000000e+00 : f32
    %max3A_410 = vector.broadcast %jit3A_408 : f32 to vector<16x100xf32>
    %max3A_411 = arith.maximumf %max3A_410, %add3A_407 : vector<16x100xf32>
    %min3A_412 = vector.broadcast %jit3A_409 : f32 to vector<16x100xf32>
    %min3A_413 = arith.minimumf %min3A_412, %max3A_411 : vector<16x100xf32>
    %jit3A_414 = arith.constant 9.99999974E-6 : f32
    %jit3A_415 = arith.constant 0.999989986 : f32
    %max3A_416 = vector.broadcast %jit3A_414 : f32 to vector<16x100xf32>
    %max3A_417 = arith.maximumf %max3A_416, %min3A_413 : vector<16x100xf32>
    %min3A_418 = vector.broadcast %jit3A_415 : f32 to vector<16x100xf32>
    %min3A_419 = arith.minimumf %min3A_418, %max3A_417 : vector<16x100xf32>
    %sub3A_420 = arith.constant 1.000000e+00 : f32
    %sub3A_421 = vector.broadcast %sub3A_420 : f32 to vector<16x100xf32>
    %sub3A_422 = arith.subf %sub3A_421, %min3A_419 : vector<16x100xf32>
    %div3A_423 = arith.divf %min3A_419, %sub3A_422 : vector<16x100xf32>
    %log3A_424 = math.log %div3A_423 : vector<16x100xf32>
    %swap3A_425 = arith.constant 0 : index
    %swap3A_426 = arith.constant 300 : index
    %swap3A_427 = vector.load %arg10[%swap3A_425, %swap3A_426] : memref<16x500xf32, #tpu.memory_space<vmem>>, vector<16x100xf32>
    tpu.vector_store %arg10[%swap3A_425, %swap3A_426], %log3A_424 {strides = array<i32>} : memref<16x500xf32, #tpu.memory_space<vmem>>, vector<16x100xf32>,
    %get3A_428 = arith.constant 0 : index
    %get3A_429 = arith.constant 300 : index
    %get3A_430 = vector.load %arg7[%get3A_428, %get3A_429] : memref<16x500xf32, #tpu.memory_space<vmem>>, vector<16x100xf32>
    %mul3A_431 = arith.mulf %get3A_430, %get3A_10 : vector<16x100xf32>
    %mul3A_432 = arith.constant 4.000000e-01 : f32
    %mul3A_433 = vector.broadcast %mul3A_432 : f32 to vector<16x100xf32>
    %mul3A_434 = arith.mulf %mul3A_431, %mul3A_433 : vector<16x100xf32>
    %add3A_435 = arith.addf %get3A_10, %mul3A_434 : vector<16x100xf32>
    %jit3A_436 = arith.constant 0.000000e+00 : f32
    %jit3A_437 = arith.constant 1.000000e+00 : f32
    %max3A_438 = vector.broadcast %jit3A_436 : f32 to vector<16x100xf32>
    %max3A_439 = arith.maximumf %max3A_438, %add3A_435 : vector<16x100xf32>
    %min3A_440 = vector.broadcast %jit3A_437 : f32 to vector<16x100xf32>
    %min3A_441 = arith.minimumf %min3A_440, %max3A_439 : vector<16x100xf32>
    %jit3A_442 = arith.constant 9.99999974E-6 : f32
    %jit3A_443 = arith.constant 0.999989986 : f32
    %max3A_444 = vector.broadcast %jit3A_442 : f32 to vector<16x100xf32>
    %max3A_445 = arith.maximumf %max3A_444, %min3A_441 : vector<16x100xf32>
    %min3A_446 = vector.broadcast %jit3A_443 : f32 to vector<16x100xf32>
    %min3A_447 = arith.minimumf %min3A_446, %max3A_445 : vector<16x100xf32>
    %sub3A_448 = arith.constant 1.000000e+00 : f32
    %sub3A_449 = vector.broadcast %sub3A_448 : f32 to vector<16x100xf32>
    %sub3A_450 = arith.subf %sub3A_449, %min3A_447 : vector<16x100xf32>
    %div3A_451 = arith.divf %min3A_447, %sub3A_450 : vector<16x100xf32>
    %log3A_452 = math.log %div3A_451 : vector<16x100xf32>
    %swap3A_453 = arith.constant 0 : index
    %swap3A_454 = arith.constant 300 : index
    %swap3A_455 = vector.load %arg11[%swap3A_453, %swap3A_454] : memref<16x500xf32, #tpu.memory_space<vmem>>, vector<16x100xf32>
    tpu.vector_store %arg11[%swap3A_453, %swap3A_454], %log3A_452 {strides = array<i32>} : memref<16x500xf32, #tpu.memory_space<vmem>>, vector<16x100xf32>,
    %get3A_456 = arith.constant 0 : index
    %get3A_457 = arith.constant 400 : index
    %get3A_458 = vector.load %arg4[%get3A_456, %get3A_457] : memref<16x500xf32, #tpu.memory_space<vmem>>, vector<16x100xf32>
    %mul3A_459 = arith.mulf %get3A_458, %mul3A_12 : vector<16x100xf32>
    %mul3A_460 = arith.constant 4.000000e-01 : f32
    %mul3A_461 = vector.broadcast %mul3A_460 : f32 to vector<16x100xf32>
    %mul3A_462 = arith.mulf %mul3A_459, %mul3A_461 : vector<16x100xf32>
    %add3A_463 = arith.addf %get3A_1, %mul3A_462 : vector<16x100xf32>
    %jit3A_464 = arith.constant 0.000000e+00 : f32
    %jit3A_465 = arith.constant 1.000000e+00 : f32
    %max3A_466 = vector.broadcast %jit3A_464 : f32 to vector<16x100xf32>
    %max3A_467 = arith.maximumf %max3A_466, %add3A_463 : vector<16x100xf32>
    %min3A_468 = vector.broadcast %jit3A_465 : f32 to vector<16x100xf32>
    %min3A_469 = arith.minimumf %min3A_468, %max3A_467 : vector<16x100xf32>
    %jit3A_470 = arith.constant 9.99999974E-6 : f32
    %jit3A_471 = arith.constant 0.999989986 : f32
    %max3A_472 = vector.broadcast %jit3A_470 : f32 to vector<16x100xf32>
    %max3A_473 = arith.maximumf %max3A_472, %min3A_469 : vector<16x100xf32>
    %min3A_474 = vector.broadcast %jit3A_471 : f32 to vector<16x100xf32>
    %min3A_475 = arith.minimumf %min3A_474, %max3A_473 : vector<16x100xf32>
    %sub3A_476 = arith.constant 1.000000e+00 : f32
    %sub3A_477 = vector.broadcast %sub3A_476 : f32 to vector<16x100xf32>
    %sub3A_478 = arith.subf %sub3A_477, %min3A_475 : vector<16x100xf32>
    %div3A_479 = arith.divf %min3A_475, %sub3A_478 : vector<16x100xf32>
    %log3A_480 = math.log %div3A_479 : vector<16x100xf32>
    %swap3A_481 = arith.constant 0 : index
    %swap3A_482 = arith.constant 400 : index
    %swap3A_483 = vector.load %arg8[%swap3A_481, %swap3A_482] : memref<16x500xf32, #tpu.memory_space<vmem>>, vector<16x100xf32>
    tpu.vector_store %arg8[%swap3A_481, %swap3A_482], %log3A_480 {strides = array<i32>} : memref<16x500xf32, #tpu.memory_space<vmem>>, vector<16x100xf32>,
    %get3A_484 = arith.constant 0 : index
    %get3A_485 = arith.constant 400 : index
    %get3A_486 = vector.load %arg5[%get3A_484, %get3A_485] : memref<16x500xf32, #tpu.memory_space<vmem>>, vector<16x100xf32>
    %mul3A_487 = arith.mulf %get3A_486, %mul3A_15 : vector<16x100xf32>
    %mul3A_488 = arith.constant 4.000000e-01 : f32
    %mul3A_489 = vector.broadcast %mul3A_488 : f32 to vector<16x100xf32>
    %mul3A_490 = arith.mulf %mul3A_487, %mul3A_489 : vector<16x100xf32>
    %add3A_491 = arith.addf %get3A_4, %mul3A_490 : vector<16x100xf32>
    %jit3A_492 = arith.constant 0.000000e+00 : f32
    %jit3A_493 = arith.constant 1.000000e+00 : f32
    %max3A_494 = vector.broadcast %jit3A_492 : f32 to vector<16x100xf32>
    %max3A_495 = arith.maximumf %max3A_494, %add3A_491 : vector<16x100xf32>
    %min3A_496 = vector.broadcast %jit3A_493 : f32 to vector<16x100xf32>
    %min3A_497 = arith.minimumf %min3A_496, %max3A_495 : vector<16x100xf32>
    %jit3A_498 = arith.constant 9.99999974E-6 : f32
    %jit3A_499 = arith.constant 0.999989986 : f32
    %max3A_500 = vector.broadcast %jit3A_498 : f32 to vector<16x100xf32>
    %max3A_501 = arith.maximumf %max3A_500, %min3A_497 : vector<16x100xf32>
    %min3A_502 = vector.broadcast %jit3A_499 : f32 to vector<16x100xf32>
    %min3A_503 = arith.minimumf %min3A_502, %max3A_501 : vector<16x100xf32>
    %sub3A_504 = arith.constant 1.000000e+00 : f32
    %sub3A_505 = vector.broadcast %sub3A_504 : f32 to vector<16x100xf32>
    %sub3A_506 = arith.subf %sub3A_505, %min3A_503 : vector<16x100xf32>
    %div3A_507 = arith.divf %min3A_503, %sub3A_506 : vector<16x100xf32>
    %log3A_508 = math.log %div3A_507 : vector<16x100xf32>
    %swap3A_509 = arith.constant 0 : index
    %swap3A_510 = arith.constant 400 : index
    %swap3A_511 = vector.load %arg9[%swap3A_509, %swap3A_510] : memref<16x500xf32, #tpu.memory_space<vmem>>, vector<16x100xf32>
    tpu.vector_store %arg9[%swap3A_509, %swap3A_510], %log3A_508 {strides = array<i32>} : memref<16x500xf32, #tpu.memory_space<vmem>>, vector<16x100xf32>,
    %get3A_512 = arith.constant 0 : index
    %get3A_513 = arith.constant 400 : index
    %get3A_514 = vector.load %arg6[%get3A_512, %get3A_513] : memref<16x500xf32, #tpu.memory_space<vmem>>, vector<16x100xf32>
    %mul3A_515 = arith.mulf %get3A_514, %get3A_7 : vector<16x100xf32>
    %mul3A_516 = arith.constant 4.000000e-01 : f32
    %mul3A_517 = vector.broadcast %mul3A_516 : f32 to vector<16x100xf32>
    %mul3A_518 = arith.mulf %mul3A_515, %mul3A_517 : vector<16x100xf32>
    %add3A_519 = arith.addf %get3A_7, %mul3A_518 : vector<16x100xf32>
    %jit3A_520 = arith.constant 0.000000e+00 : f32
    %jit3A_521 = arith.constant 1.000000e+00 : f32
    %max3A_522 = vector.broadcast %jit3A_520 : f32 to vector<16x100xf32>
    %max3A_523 = arith.maximumf %max3A_522, %add3A_519 : vector<16x100xf32>
    %min3A_524 = vector.broadcast %jit3A_521 : f32 to vector<16x100xf32>
    %min3A_525 = arith.minimumf %min3A_524, %max3A_523 : vector<16x100xf32>
    %jit3A_526 = arith.constant 9.99999974E-6 : f32
    %jit3A_527 = arith.constant 0.999989986 : f32
    %max3A_528 = vector.broadcast %jit3A_526 : f32 to vector<16x100xf32>
    %max3A_529 = arith.maximumf %max3A_528, %min3A_525 : vector<16x100xf32>
    %min3A_530 = vector.broadcast %jit3A_527 : f32 to vector<16x100xf32>
    %min3A_531 = arith.minimumf %min3A_530, %max3A_529 : vector<16x100xf32>
    %sub3A_532 = arith.constant 1.000000e+00 : f32
    %sub3A_533 = vector.broadcast %sub3A_532 : f32 to vector<16x100xf32>
    %sub3A_534 = arith.subf %sub3A_533, %min3A_531 : vector<16x100xf32>
    %div3A_535 = arith.divf %min3A_531, %sub3A_534 : vector<16x100xf32>
    %log3A_536 = math.log %div3A_535 : vector<16x100xf32>
    %swap3A_537 = arith.constant 0 : index
    %swap3A_538 = arith.constant 400 : index
    %swap3A_539 = vector.load %arg10[%swap3A_537, %swap3A_538] : memref<16x500xf32, #tpu.memory_space<vmem>>, vector<16x100xf32>
    tpu.vector_store %arg10[%swap3A_537, %swap3A_538], %log3A_536 {strides = array<i32>} : memref<16x500xf32, #tpu.memory_space<vmem>>, vector<16x100xf32>,
    %get3A_540 = arith.constant 0 : index
    %get3A_541 = arith.constant 400 : index
    %get3A_542 = vector.load %arg7[%get3A_540, %get3A_541] : memref<16x500xf32, #tpu.memory_space<vmem>>, vector<16x100xf32>
    %mul3A_543 = arith.mulf %get3A_542, %get3A_10 : vector<16x100xf32>
    %mul3A_544 = arith.constant 4.000000e-01 : f32
    %mul3A_545 = vector.broadcast %mul3A_544 : f32 to vector<16x100xf32>
    %mul3A_546 = arith.mulf %mul3A_543, %mul3A_545 : vector<16x100xf32>
    %add3A_547 = arith.addf %get3A_10, %mul3A_546 : vector<16x100xf32>
    %jit3A_548 = arith.constant 0.000000e+00 : f32
    %jit3A_549 = arith.constant 1.000000e+00 : f32
    %max3A_550 = vector.broadcast %jit3A_548 : f32 to vector<16x100xf32>
    %max3A_551 = arith.maximumf %max3A_550, %add3A_547 : vector<16x100xf32>
    %min3A_552 = vector.broadcast %jit3A_549 : f32 to vector<16x100xf32>
    %min3A_553 = arith.minimumf %min3A_552, %max3A_551 : vector<16x100xf32>
    %jit3A_554 = arith.constant 9.99999974E-6 : f32
    %jit3A_555 = arith.constant 0.999989986 : f32
    %max3A_556 = vector.broadcast %jit3A_554 : f32 to vector<16x100xf32>
    %max3A_557 = arith.maximumf %max3A_556, %min3A_553 : vector<16x100xf32>
    %min3A_558 = vector.broadcast %jit3A_555 : f32 to vector<16x100xf32>
    %min3A_559 = arith.minimumf %min3A_558, %max3A_557 : vector<16x100xf32>
    %sub3A_560 = arith.constant 1.000000e+00 : f32
    %sub3A_561 = vector.broadcast %sub3A_560 : f32 to vector<16x100xf32>
    %sub3A_562 = arith.subf %sub3A_561, %min3A_559 : vector<16x100xf32>
    %div3A_563 = arith.divf %min3A_559, %sub3A_562 : vector<16x100xf32>
    %log3A_564 = math.log %div3A_563 : vector<16x100xf32>
    %swap3A_565 = arith.constant 0 : index
    %swap3A_566 = arith.constant 400 : index
    %swap3A_567 = vector.load %arg11[%swap3A_565, %swap3A_566] : memref<16x500xf32, #tpu.memory_space<vmem>>, vector<16x100xf32>
    tpu.vector_store %arg11[%swap3A_565, %swap3A_566], %log3A_564 {strides = array<i32>} : memref<16x500xf32, #tpu.memory_space<vmem>>, vector<16x100xf32>,
    %iota3A = tpu.iota {dimensions = array<i32: 0>} : vector<800x800xi32>
    %iota3A_568 = tpu.iota {dimensions = array<i32: 1>} : vector<800x800xi32>
    %lt3A = arith.constant 500 : i32
    %lt3A_569 = vector.broadcast %lt3A : i32 to vector<800x800xi32>
    %lt3A_570 = arith.cmpi slt, %iota3A_568, %lt3A_569 : vector<800x800xi32>
    %ge3A = arith.constant 500 : i32
    %ge3A_571 = vector.broadcast %ge3A : i32 to vector<800x800xi32>
    %ge3A_572 = arith.cmpi sge, %iota3A, %ge3A_571 : vector<800x800xi32>
    %jit3A_573 = arith.constant 100 : i32
    %div3A_574 = vector.broadcast %jit3A_573 : i32 to vector<800x800xi32>
    %div3A_575 = arith.divsi %iota3A, %div3A_574 : vector<800x800xi32>
    %sign3A = arith.constant 0 : i32
    %sign3A_576 = vector.broadcast %sign3A : i32 to vector<800x800xi32>
    %sign3A_577 = arith.cmpi sgt, %iota3A, %sign3A_576 : vector<800x800xi32>
    %sign3A_578 = arith.extui %sign3A_577 : vector<800x800xi1> to vector<800x800xi32>
    %sign3A_579 = arith.constant 0 : i32
    %sign3A_580 = vector.broadcast %sign3A_579 : i32 to vector<800x800xi32>
    %sign3A_581 = arith.cmpi slt, %iota3A, %sign3A_580 : vector<800x800xi32>
    %sign3A_582 = arith.extui %sign3A_581 : vector<800x800xi1> to vector<800x800xi32>
    %sign3A_583 = arith.subi %sign3A_578, %sign3A_582 : vector<800x800xi32>
    %sign3A_584 = arith.constant 0 : i32
    %sign3A_585 = arith.cmpi sgt, %jit3A_573, %sign3A_584 : i32
    %sign3A_586 = arith.extui %sign3A_585 : i1 to i32
    %sign3A_587 = arith.constant 0 : i32
    %sign3A_588 = arith.cmpi slt, %jit3A_573, %sign3A_587 : i32
    %sign3A_589 = arith.extui %sign3A_588 : i1 to i32
    %sign3A_590 = arith.subi %sign3A_586, %sign3A_589 : i32
    %ne3A = vector.broadcast %sign3A_590 : i32 to vector<800x800xi32>
    %ne3A_591 = arith.cmpi ne, %sign3A_583, %ne3A : vector<800x800xi32>
    %rem3A = vector.broadcast %jit3A_573 : i32 to vector<800x800xi32>
    %rem3A_592 = arith.remsi %iota3A, %rem3A : vector<800x800xi32>
    %ne3A_593 = arith.constant 0 : i32
    %ne3A_594 = vector.broadcast %ne3A_593 : i32 to vector<800x800xi32>
    %ne3A_595 = arith.cmpi ne, %rem3A_592, %ne3A_594 : vector<800x800xi32>
    %and3A = arith.andi %ne3A_591, %ne3A_595 : vector<800x800xi1>
    %sub3A_596 = arith.constant 1 : i32
    %sub3A_597 = vector.broadcast %sub3A_596 : i32 to vector<800x800xi32>
    %sub3A_598 = arith.subi %div3A_575, %sub3A_597 : vector<800x800xi32>
    %select_n3A = arith.select %and3A, %sub3A_598, %div3A_575 : vector<800x800xi1>, vector<800x800xi32>
    %jit3A_599 = arith.constant 100 : i32
    %div3A_600 = vector.broadcast %jit3A_599 : i32 to vector<800x800xi32>
    %div3A_601 = arith.divsi %iota3A_568, %div3A_600 : vector<800x800xi32>
    %sign3A_602 = arith.constant 0 : i32
    %sign3A_603 = vector.broadcast %sign3A_602 : i32 to vector<800x800xi32>
    %sign3A_604 = arith.cmpi sgt, %iota3A_568, %sign3A_603 : vector<800x800xi32>
    %sign3A_605 = arith.extui %sign3A_604 : vector<800x800xi1> to vector<800x800xi32>
    %sign3A_606 = arith.constant 0 : i32
    %sign3A_607 = vector.broadcast %sign3A_606 : i32 to vector<800x800xi32>
    %sign3A_608 = arith.cmpi slt, %iota3A_568, %sign3A_607 : vector<800x800xi32>
    %sign3A_609 = arith.extui %sign3A_608 : vector<800x800xi1> to vector<800x800xi32>
    %sign3A_610 = arith.subi %sign3A_605, %sign3A_609 : vector<800x800xi32>
    %sign3A_611 = arith.constant 0 : i32
    %sign3A_612 = arith.cmpi sgt, %jit3A_599, %sign3A_611 : i32
    %sign3A_613 = arith.extui %sign3A_612 : i1 to i32
    %sign3A_614 = arith.constant 0 : i32
    %sign3A_615 = arith.cmpi slt, %jit3A_599, %sign3A_614 : i32
    %sign3A_616 = arith.extui %sign3A_615 : i1 to i32
    %sign3A_617 = arith.subi %sign3A_613, %sign3A_616 : i32
    %ne3A_618 = vector.broadcast %sign3A_617 : i32 to vector<800x800xi32>
    %ne3A_619 = arith.cmpi ne, %sign3A_610, %ne3A_618 : vector<800x800xi32>
    %rem3A_620 = vector.broadcast %jit3A_599 : i32 to vector<800x800xi32>
    %rem3A_621 = arith.remsi %iota3A_568, %rem3A_620 : vector<800x800xi32>
    %ne3A_622 = arith.constant 0 : i32
    %ne3A_623 = vector.broadcast %ne3A_622 : i32 to vector<800x800xi32>
    %ne3A_624 = arith.cmpi ne, %rem3A_621, %ne3A_623 : vector<800x800xi32>
    %and3A_625 = arith.andi %ne3A_619, %ne3A_624 : vector<800x800xi1>
    %sub3A_626 = arith.constant 1 : i32
    %sub3A_627 = vector.broadcast %sub3A_626 : i32 to vector<800x800xi32>
    %sub3A_628 = arith.subi %div3A_601, %sub3A_627 : vector<800x800xi32>
    %select_n3A_629 = arith.select %and3A_625, %sub3A_628, %div3A_601 : vector<800x800xi1>, vector<800x800xi32>
    %ne3A_630 = arith.cmpi ne, %select_n3A, %select_n3A_629 : vector<800x800xi32>
    %or3A = arith.ori %ge3A_572, %ne3A_630 : vector<800x800xi1>
    %and3A_631 = arith.andi %lt3A_570, %or3A : vector<800x800xi1>
    %swap3A_632 = arith.constant 0 : index
    %swap3A_633 = arith.constant 0 : index
    %swap3A_634 = vector.load %arg12[%swap3A_632, %swap3A_633] : memref<800x800xi32, #tpu.memory_space<vmem>>, vector<800x800xi32>
    %swap3A_635 = arith.extui %and3A_631 : vector<800x800xi1> to vector<800x800xi32>
    %swap3A_636 = arith.constant dense<0> : vector<800x800xi32>
    %swap3A_637 = arith.cmpi ne, %swap3A_634, %swap3A_636 : vector<800x800xi32>
    tpu.vector_store %arg12[%swap3A_632, %swap3A_633], %swap3A_635 {strides = array<i32>} : memref<800x800xi32, #tpu.memory_space<vmem>>, vector<800x800xi32>,
    return
  }
}

</mosaic_0001>

<sc_bundles>
// kernel: kernel.4.cloned.1.call-start
scs
__scs_entry_jumppad:
0x0: {  	(pc) =	sbr.rel $0x88, $3  }
0x1: {  	(tag) =	ssettag $0x0;
	lr =	simm.s32 $0x1  }
0x2: {  	[smem:$0x3F9E] =	sst lr;
	_ =	strace $0xD0000000  }
0x3: {  	_ = 	snop  }
0x4: {  	_ = 	snop  }
0x5: {  	_ = 	snop  }
0x6: {  	_ = 	snop  }
0x7: {  	_ = 	snop  }
__scs_overlays_trampoline_lowered:
0x8: {  	[smem:$0x3FAD] =	sst s0  }
0x9: {  	[smem:$0x3FAE] =	sst s1  }
0xa: {  	[smem:$0x3FAF] =	sst s2  }
0xb: {  	[smem:$0x3FB0] =	sst s3  }
0xc: {  	[smem:$0x3FB1] =	sst s4  }
0xd: {  	[smem:$0x3FB2] =	sst s5  }
0xe: {  	[smem:$0x3FB3] =	sst s6  }
0xf: {  	[smem:$0x3FB4] =	sst s7  }
0x10: {  	[smem:$0x3FB5] =	sst s8  }
0x11: {  	[smem:$0x3FB6] =	sst s9;
	s0 =	simm.s32 @!p0 $0x0  }
0x12: {  	s1 =	sld [smem:$0x3F9C];
	s0 =	simm.s32 @p0 $0x1  }
0x13: {  	[smem:$0x3FB7] =	sst s0;
	s0 =	simm.s32 @!p1 $0x0  }
0x14: {  	s2 =	sld [smem:$0x3F9B];
	s0 =	simm.s32 @p1 $0x1  }
0x15: {  	[smem:$0x3FB8] =	sst s0;
	s0 =	simm.s32 @!p2 $0x0  }
0x16: {  	s3 =	sld [smem:$0x3FDB];
	s0 =	simm.s32 @p2 $0x1  }
0x17: {  	s4 =	simm.s32 $0x1BF5;
	[smem:$0x3FBA] =	sst s0  }
0x18: {  	s0 =	sld [smem:$0x3F9D];
	_ =	swait.ge [sflag:s4], $0x0  }
0x19: {  	s7 =	sld [smem:$0x3F9E]  }
0x1a: {  	s8 =	sadd.s32 $0xFFFFE003, lr  }
0x1b: {  	s9 =	sadd.s32 $0xFFFFFEF7, lr;
	s5 =	simm.s32 $0xFFFFFFFF;
	p2 =	slt.u32 s8, $0xFFFFF086  }
0x1c: {  	p1 =	slt.u32 s9, $0xF7A;
	s5 =	simm.s32 @!p2 $0x0  }
0x1d: {  	s5 =	simm.s32 @p1 $0x1;
	p0 =	seq.s32 s7, s2  }
0x1e: {  	s7 =	smul.u32 @!p0 $0xF7A, s2;
	p2 =	seq.s32 @!p0 s5, $0x0  }
0x1f: {  	s9 =	smul.u32 $0xF7A, s1;
	s8 =	simm.s32 @!p0 $0x1BF5;
	p2 =	por !p2, p0  }
0x20: {  	[sflag:s8] =	ssyncset.s32 @!p0 $0xFFFFF086;
	s6 =	sadd.s32 @!p0 s3, s7;
	s7 =	simm.s32 @!p0 $0x108  }
0x21: {  	s3 =	sadd.s32 s3, s9;
	s6 =	sadd.s32 @!p0 $0x88, s6;
	s7 =	simm.s32 @p2 $0x1082  }
0x22: {  	[simem:s7], [sflag:s8] =	dma.local @!p0 [hbm:s6], $0xF7A  }
0x23: {  	s9 =	sor.u32 $0xD0000000, s2;
	s6 =	simm.s32 $0x108;
	_ =	swait.ge @!p0 [sflag:s8], $0x0  }
0x24: {  	s3 =	sadd.s32 $0x88, s3;
	s6 =	simm.s32 @!p1 $0x1082;
	[sflag:s4] =	ssyncset.s32 $0xFFFFF086  }
0x25: {  	[simem:s6], [sflag:s4] =	dma.local [hbm:s3], $0xF7A  }
0x26: {  	[smem:$0x3F9E] =	sst s1;
	(tag) =	ssettag s2;
	_ =	strace s9  }
0x27: {  	s1 =	sld [smem:$0x3FAE]  }
0x28: {  	s2 =	sld [smem:$0x3FAF]  }
0x29: {  	s4 =	sld [smem:$0x3FB1]  }
0x2a: {  	p0 =	seq.s32 s5, $0x0;
	s5 =	sld [smem:$0x3FB2]  }
0x2b: {  	s6 =	sld [smem:$0x3FB3]  }
0x2c: {  	s7 =	sld [smem:$0x3FB4]  }
0x2d: {  	s3 =	simm.s32 $0x108;
	s8 =	sld [smem:$0x3FB5]  }
0x2e: {  	s3 =	simm.s32 @!p0 $0x1082;
	s9 =	sld [smem:$0x3FB6]  }
0x2f: {  	lr =	sadd.s32 s0, s3;
	s0 =	sld [smem:$0x3FAD]  }
0x30: {  	s3 =	sld [smem:$0x3FB0]  }
0x31: {  	[smem:$0x3FB9] =	sst s10  }
0x32: {  	s10 =	sld [smem:$0x3FB7];
	_ =	sdelay $0x3  }
0x33: {  	p0 =	seq.s32 s10, $0x1;
	s10 =	sld [smem:$0x3FB9];
	_ =	sdelay $0x3  }
0x34: {  	[smem:$0x3FB9] =	sst s10  }
0x35: {  	s10 =	sld [smem:$0x3FB8];
	_ =	sdelay $0x3  }
0x36: {  	p1 =	seq.s32 s10, $0x1;
	s10 =	sld [smem:$0x3FB9];
	_ =	sdelay $0x3  }
0x37: {  	[smem:$0x3FB9] =	sst s10  }
0x38: {  	s10 =	sld [smem:$0x3FBA]  }
0x39: {  	_ = 	snop;
	(pc) =	sbr.ind lr, $3  }
0x3a: {  	_ = 	snop  }
0x3b: {  	_ = 	snop  }
0x3c: {  	p2 =	seq.s32 s10, $0x1;
	s10 =	sld [smem:$0x3FB9]  }
0x3d: {  	_ =	shalt  }
0x3e: {  	_ =	shalt  }
0x3f: {  	_ =	shalt  }
0x40: {  	_ =	shalt  }
0x41: {  	_ =	shalt  }
0x42: {  	_ =	shalt  }
0x43: {  	_ =	shalt  }
0x44: {  	_ =	shalt  }
0x45: {  	_ =	shalt  }
0x46: {  	_ =	shalt  }
0x47: {  	_ =	shalt  }
0x48: {  	_ =	shalt  }
0x49: {  	_ =	shalt  }
0x4a: {  	_ =	shalt  }
0x4b: {  	_ =	shalt  }
0x4c: {  	_ =	shalt  }
0x4d: {  	_ =	shalt  }
0x4e: {  	_ =	shalt  }
0x4f: {  	_ =	shalt  }
0x50: {  	_ =	shalt  }
0x51: {  	_ =	shalt  }
0x52: {  	_ =	shalt  }
0x53: {  	_ =	shalt  }
0x54: {  	_ =	shalt  }
0x55: {  	_ =	shalt  }
0x56: {  	_ =	shalt  }
0x57: {  	_ =	shalt  }
0x58: {  	_ =	shalt  }
0x59: {  	_ =	shalt  }
0x5a: {  	_ =	shalt  }
0x5b: {  	_ =	shalt  }
0x5c: {  	_ =	shalt  }
0x5d: {  	_ =	shalt  }
0x5e: {  	_ =	shalt  }
0x5f: {  	_ =	shalt  }
0x60: {  	_ =	shalt  }
0x61: {  	_ =	shalt  }
0x62: {  	_ =	shalt  }
0x63: {  	_ =	shalt  }
0x64: {  	_ =	shalt  }
0x65: {  	_ =	shalt  }
0x66: {  	_ =	shalt  }
0x67: {  	_ =	shalt  }
0x68: {  	_ =	shalt  }
0x69: {  	_ =	shalt  }
0x6a: {  	_ =	shalt  }
0x6b: {  	_ =	shalt  }
0x6c: {  	_ =	shalt  }
0x6d: {  	_ =	shalt  }
0x6e: {  	_ =	shalt  }
0x6f: {  	_ =	shalt  }
0x70: {  	_ =	shalt  }
0x71: {  	_ =	shalt  }
0x72: {  	_ =	shalt  }
0x73: {  	_ =	shalt  }
0x74: {  	_ =	shalt  }
0x75: {  	_ =	shalt  }
0x76: {  	_ =	shalt  }
0x77: {  	_ =	shalt  }
0x78: {  	_ =	shalt  }
0x79: {  	_ =	shalt  }
0x7a: {  	_ =	shalt  }
0x7b: {  	_ =	shalt  }
0x7c: {  	_ =	shalt  }
0x7d: {  	_ =	shalt  }
0x7e: {  	_ =	shalt  }
0x7f: {  	_ =	shalt  }
0x80: {  	_ =	shalt  }
0x81: {  	_ =	shalt  }
0x82: {  	_ =	shalt  }
0x83: {  	_ =	shalt  }
0x84: {  	_ =	shalt  }
0x85: {  	_ =	shalt  }
0x86: {  	_ =	shalt  }
0x87: {  	_ =	shalt  }
.Lfunc_end0:
.L_simem_size_0:
called_computation_lowered:
.L_overlay_start_0:
0x88: {  	s2 =	sld [smem:$0x3FD9]  }
0x89: {  	s3 =	sld [smem:$0x3FFE];
	_ =	sdelay $0x1  }
0x8a: {  	s1 =	srdreg.scid  }
0x8b: {  	s0 =	sand.u32 $0x1, s1  }
0x8c: {  	s14 =	sshll.u32 s0, $0xA;
	s2 =	sadd.s32 s3, s2  }
0x8d: {  	s2 =	sadd.s32 s2, s14  }
0x8e: {  	[smem:$0x3FC5] =	sst s2  }
0x8f: {  	_ = 	snop  }
0x90: {  	s2 =	sld [smem:$0x3FD0];
	_ =	sdelay $0x2  }
0x91: {  	s15 =	simm.s32 $0xA;
	s4 =	simm.s32 $0x10  }
0x92: {  	[smem:s4], [sflag:s15] =	dma.local [hbm:s2], $0x1  }
0x93: {  	_ =	swait.eq [sflag:s15], $0x1  }
0x94: {  	[sflag:s15] =	ssyncset.done $0x0  }
0x95: {  	[sflag:s15] =	ssyncadd.s32 $0xFFFFFFFF  }
0x96: {  	s16 =	sld [smem:$0x10];
	(tm) =	ssettm $0x1  }
0x97: {  	s17 =	sld [smem:$0x3FFB];
	_ =	sdelay $0x3  }
0x98: {  	_ =	strace s17  }
0x99: {  	s3 =	sld [smem:$0x3FFC];
	_ =	sdelay $0x3  }
0x9a: {  	_ =	strace s3  }
0x9b: {  	s3 =	sld [smem:$0x3FFD];
	_ =	sdelay $0x3  }
0x9c: {  	_ =	strace s3  }
0x9d: {  	_ =	strace $0x8FFFFFFF  }
0x9e: {  	s18 =	sld [smem:$0x3FDB];
	_ =	sdelay $0x1  }
0x9f: {  	s19 =	simm.s32 $_scs_section_size  }
0xa0: {  	s5 =	simm.s32 $_size__tile_overlayer_lowered;
	s6 =	simm.s32 $_tile_overlayer_lowered  }
0xa1: {  	s22 =	simm.s32 $0x1BFF;
	s21 =	sshll.u32 s6, $0x1;
	s3 =	sadd.s32 s19, s18  }
0xa2: {  	s7 =	simm.s32 $0x0;
	s20 =	sshll.u32 s5, $0x1;
	s5 =	sadd.s32 s21, s3  }
0xa3: {  	[timem:s7], [sflag:s22] =	dma.local [hbm:s5], s20  }
0xa4: {  	_ =	swait.ge [sflag:s22], s20  }
0xa5: {  	s4 =	ssub.s32 $0x0, s20;
	[sflag:s22] =	ssyncset.done $0x0  }
0xa6: {  	[sflag:s22] =	ssyncadd.s32 s4;
	_ =	sdelay $0x1  }
0xa7: {  	s23 =	simm.s32 $0x1B8B  }
0xa8: {  	_ =	swait.ge [sflag:s23], $0x1  }
0xa9: {  	[sflag:s23] =	ssyncset.done $0x0  }
0xaa: {  	s25 =	simm.s32 $0x1B8E;
	s24 =	sld [smem:$0x3FFE];
	[sflag:s23] =	ssyncadd.s32 $0xFFFFFFFF  }
0xab: {  	s26 =	simm.s32 $execute0_lowered;
	[smem:$0x3FD2] =	sst s25  }
0xac: {  	s5 =	sshll.u32 s26, $0x1;
	_ =	strace $0x80000046;
	[dreg:$0x1] =	wrdreg $0xFFFFFFFF  }
0xad: {  	s28 =	simm.s32 $_size_execute0_lowered;
	s3 =	sadd.s32 s3, s5;
	[dreg:$0x0] =	wrdreg $0x0  }
0xae: {  	s5 =	sshll.u32 s28, $0x1;
	[dreg:$0x2] =	wrdreg s3  }
0xaf: {  	[dreg:$0x3] =	wrdreg s5  }
0xb0: {  	[dreg:$0x4] =	wrdreg $0xC0  }
0xb1: {  	_ =	task [dreg:s7], $0x5FFFF  }
0xb2: {  	[dreg:$0x1] =	wrdreg $0xFFFFFFFF  }
0xb3: {  	[dreg:$0x0] =	wrdreg $0x60  }
0xb4: {  	[dreg:$0x2] =	wrdreg s24  }
0xb5: {  	[dreg:$0x3] =	wrdreg s16  }
0xb6: {  	[dreg:$0x4] =	wrdreg $0x9  }
0xb7: {  	_ =	task.clear_ibuf [dreg:s7], $0x5FFFF;
	_ =	strace $0x90000046  }
0xb8: {  	s29 =	simm.s32 $0x9;
	_ =	strace $0x80000048  }
0xb9: {  	_ =	swait.ge [sflag:s29], $0x1  }
0xba: {  	[sflag:s29] =	ssyncadd.s32 $0xFFFFFFFF  }
0xbb: {  	_ =	strace $0x90000048  }
0xbc: {  	_ =	sfence  }
0xbd: {  	s30 =	sld [smem:$0x0];
	_ =	sdelay $0x2  }
0xbe: {  	s31 =	sshll.u32 s1, $0xD;
	s1 =	sshrl.u32 s1, $0x2  }
0xbf: {  	s3 =	sand.u32 $0x4000, s31;
	s1 =	sadd.s32 s1, s30  }
0xc0: {  	s0 =	sor.u32 s3, s0;
	s1 =	sshll.u32 s1, $0x11  }
0xc1: {  	s0 =	sor.u32 s1, s0  }
0xc2: {  	s0 =	sadd.s32 $0x8F2B, s0  }
0xc3: {  	[sflag:s0] =	ssyncadd.remote.s32 $0x1  }
0xc4: {  	_ =	sfence.sel $0xFFFF  }
0xc5: {  	[dreg:$0x0] =	wrdreg $0xFFFFFFFF;
	(pc) =	sbr.abs _section_cstart, $3  }
0xc6: {  	[dreg:$0x1] =	wrdreg $0xFFFFFFFF  }
0xc7: {  	_ =	task.clear_ibuf [dreg:s7], $0x2FFFF;
	_ =	strace $0x9FFFFFFF  }
0xc8: {  	(tm) =	ssettm $0x7FFFFFFF  }
0xc9: {  	_ =	shalt  }
tec
execute0_lowered:
.L_overlay_start_1:
0x0: {  	(tag) =	ssettag $0x1  }
0x1: {  	s1 =	srdreg.scid;
	s0 =	stileid.u32  }
0x2: {  	s1 =	sand.u32 $0x1, s1;
	s5 =	sshll.u32 s0, $0x1  }
0x3: {  	s5 =	sor.u32 s1, s5  }
0x4: {  	p0 =	sgt.u32 s5, $0x18  }
.Ltmp0:
0x5: {  	_ = 	snop;
	(pc) =	sbr.rel @p0 .LBB2_3-.Ltmp0, $4  }
0x6: {  	_ = 	snop  }
0x7: {  	s4 =	rddreg [dreg:$0x0];
	s2 =	simm.s32 $0x0  }
0x8: {  	[smem:$0x7FF] =	sst s2  }
0x9: {  	s3 =	rddreg [dreg:$0x1];
	_ =	strace $0x80000047  }
0xa: {  	s19 =	simm.s32 $0x180  }
0xb: {  	s20 =	simm.s32 $0xC80;
	[dreg:$0xc] =	wrdreg s19  }
0xc: {  	s6 =	smul.u32 $0x14000, s5;
	s21 =	simm.s32 $0x1480;
	[dreg:$0xd] =	wrdreg s20  }
0xd: {  	s7 =	sadd.s32 $0x11400, s4;
	s22 =	simm.s32 $0x1C80;
	[dreg:$0xe] =	wrdreg s21  }
0xe: {  	s0 =	stileid.u32;
	s23 =	simm.s32 $0x2480;
	[dreg:$0xf] =	wrdreg s22  }
0xf: {  	s9 =	sshll.u32 s5, $0x7;
	s24 =	simm.s32 $0x3480;
	[dreg:$0x10] =	wrdreg s23  }
0x10: {  	s18 =	sadd.s32 $0x1400, s4;
	s25 =	simm.s32 $0x3C80;
	[dreg:$0x11] =	wrdreg s24  }
0x11: {  	s26 =	simm.s32 $0x4480;
	s4 =	sadd.s32 $0x1A00, s4;
	[dreg:$0x12] =	wrdreg s25  }
0x12: {  	s10 =	simm.s32 $0x7480;
	s11 =	simm.s32 $0x8480;
	[dreg:$0x13] =	wrdreg s26  }
0x13: {  	s1 =	ssub.s32 $0x2, s1;
	s28 =	simm.s32 $0x6;
	[dreg:$0x18] =	wrdreg s10  }
0x14: {  	s14 =	sshrl.u32 s0, $0x2;
	s0 =	simm.s32 $0x4C80;
	[dreg:$0x19] =	wrdreg s11  }
0x15: {  	s29 =	simm.s32 $0x7;
	s19 =	simm.s32 $0xC480;
	[dreg:$0x14] =	wrdreg s0  }
0x16: {  	s30 =	simm.s32 $0x8;
	s20 =	simm.s32 $0xD480;
	[smem:$0x7F7] =	sst s19  }
0x17: {  	s31 =	simm.s32 $0x9;
	s21 =	simm.s32 $0xDC80;
	[smem:$0x7F8] =	sst s20  }
0x18: {  	s9 =	sand.u32 $0x380, s9;
	s22 =	simm.s32 $0xE480;
	[smem:$0x7F9] =	sst s21  }
0x19: {  	s26 =	smul.u32 $0x50, s5;
	s23 =	simm.s32 $0xEC80;
	[smem:$0x7FA] =	sst s22  }
0x1a: {  	s24 =	simm.s32 $0xFC80;
	s6 =	sshrl.u32 s6, $0x3;
	[smem:$0x7FB] =	sst s23  }
0x1b: {  	s25 =	simm.s32 $0x10480;
	[smem:$0x7FC] =	sst s24;
	s3 =	sadd.s32 s3, s6  }
0x1c: {  	s10 =	simm.s32 $0x2C80;
	[smem:$0x7FD] =	sst s25;
	s6 =	sadd.s32 $0x500, s3  }
0x1d: {  	s11 =	simm.s32 $0x5480;
	s12 =	sadd.s32 $0xA00, s3;
	[dreg:$0x3] =	wrdreg s6  }
0x1e: {  	s19 =	simm.s32 $0x12480;
	s13 =	sadd.s32 $0xF00, s3;
	[dreg:$0x4] =	wrdreg s12  }
0x1f: {  	s20 =	simm.s32 $0x12C80;
	s8 =	sadd.s32 $0x1400, s3;
	[dreg:$0x5] =	wrdreg s13  }
0x20: {  	s21 =	simm.s32 $0x13480;
	s15 =	sadd.s32 $0x1900, s3;
	[dreg:$0x6] =	wrdreg s8  }
0x21: {  	s22 =	simm.s32 $0x13C80;
	s16 =	sadd.s32 $0x1E00, s3;
	[dreg:$0x7] =	wrdreg s15  }
0x22: {  	s23 =	simm.s32 $0x2;
	s17 =	sadd.s32 $0x2300, s3;
	[dreg:$0x8] =	wrdreg s16  }
0x23: {  	s24 =	simm.s32 $0x3;
	[dreg:$0x9] =	wrdreg s17;
	s8 =	simm.s32 $0x6480  }
0x24: {  	s25 =	simm.s32 $0x4;
	s12 =	simm.s32 $0x8C80;
	[dreg:$0x16] =	wrdreg s8  }
0x25: {  	s6 =	smul.u32 $0xC00, s14;
	s14 =	simm.s32 $0x9480;
	[dreg:$0x1a] =	wrdreg s12  }
0x26: {  	v0 =	vmov s26;
	s26 =	simm.s32 $0x5;
	s15 =	simm.s32 $0x9C80;
	[dreg:$0x1b] =	wrdreg s14  }
0x27: {  	s13 =	sshrl.u32 s1, $0x1;
	s16 =	simm.s32 $0xAC80;
	[dreg:$0x1c] =	wrdreg s15  }
0x28: {  	s17 =	simm.s32 $0xB480;
	s1 =	ssub.s32 s1, s13;
	[dreg:$0x1d] =	wrdreg s16  }
0x29: {  	[dreg:$0x1e] =	wrdreg s17;
	s8 =	simm.s32 $0x1;
	s12 =	simm.s32 $0x7C80  }
0x2a: {  	s13 =	simm.s32 $0xA480;
	s14 =	simm.s32 $0xCC80;
	s6 =	sor.u32 s6, s9  }
0x2b: {  	s15 =	simm.s32 $0xF480;
	s9 =	simm.s32 $0x6C80;
	s6 =	sshrl.u32 s6, $0x3  }
0x2c: {  	s5 =	smax.u32 s1, $0x1;
	[dreg:$0x17] =	wrdreg s9;
	s7 =	sadd.s32 s7, s6  }
0x2d: {  	s1 =	simm.s32 $0xA;
	s6 =	sadd.s32 s18, s6;
	[dreg:$0xb] =	wrdreg s7  }
0x2e: {  	v3 =	vlaneseq.u32;
	s9 =	simm.s32 $0x480;
	s18 =	simm.s32 $0xBC80;
	[dreg:$0xa] =	wrdreg s6  }
0x2f: {  	vm0 =	vmmov $0xffff;
	v2 =	vshrl.u32 v3, $0x3;
	s7 =	simm.s32 $0x5C80;
	s6 =	simm.s32 $0x80;
	[dreg:$0x1f] =	wrdreg s18  }
0x30: {  	v1 =	vand.u32 $0x7, v3;
	v3 =	vor.u32 $0x8, v3;
	v2 =	vmul.u32 $0x8, v2;
	s18 =	simm.s32 $0x11C80;
	[dreg:$0x15] =	wrdreg s7;
	s7 =	simm.s32 $0x400  }
.LBB2_2:
0x31: {  	s0 =	rddreg [dreg:$0xa]  }
0x32: {  	s16 =	rddreg [dreg:$0xb]  }
0x33: {  	[tilespmem:s2], [sflag:$0x1] =	stream.strided.gather [hbm4b:s0+s6], $0x180, s7, s6, $0x38;
	[tilespmem:$0x14480] =	vst v63  }
0x34: {  	s17 =	rddreg [dreg:$0xc]  }
0x35: {  	[tilespmem:s17], [sflag:$0x1] =	stream.strided.gather [hbm4b:s16+s6], $0x180, s7, s6, $0x38;
	[tilespmem:$0x14480] =	vst v63  }
0x36: {  	_ =	swait.ge [sflag:s8], $0x180  }
0x37: {  	[sflag:s8] =	ssyncset.done $0x0  }
0x38: {  	[sflag:s8] =	ssyncadd.s32 $0xFFFFFE80  }
0x39: {  	_ =	swait.ge [sflag:s8], $0x180  }
0x3a: {  	[sflag:s8] =	ssyncset.done $0x0  }
0x3b: {  	[sflag:s8] =	ssyncadd.s32 $0xFFFFFE80  }
0x3c: {  	v4 =	vld [tilespmem:$0x180]  }
0x3d: {  	v5 =	vld [tilespmem:$0x0]  }
0x3e: {  	v6 =	vld [tilespmem:$0x190]  }
0x3f: {  	v7 =	vld [tilespmem:$0x10]  }
0x40: {  	v8 =	vld [tilespmem:$0x1A0]  }
0x41: {  	v9 =	vld [tilespmem:$0x20]  }
0x42: {  	v10 =	vld [tilespmem:$0x1B0]  }
0x43: {  	v11 =	vld [tilespmem:$0x30]  }
0x44: {  	v12 =	vld [tilespmem:$0x1C0]  }
0x45: {  	v13 =	vld [tilespmem:$0x40]  }
0x46: {  	v14 =	vld [tilespmem:$0x1D0]  }
0x47: {  	v15 =	vld [tilespmem:$0x50]  }
0x48: {  	v16 =	vld [tilespmem:$0x1E0]  }
0x49: {  	v17 =	vld [tilespmem:$0x60]  }
0x4a: {  	v18 =	vld [tilespmem:$0x1F0]  }
0x4b: {  	v19 =	vld [tilespmem:$0x70]  }
0x4c: {  	v20 =	vld [tilespmem:$0x200]  }
0x4d: {  	v21 =	vld [tilespmem:$0x80]  }
0x4e: {  	v22 =	vld [tilespmem:$0x210]  }
0x4f: {  	v38 =	vld [tilespmem:$0x270]  }
0x50: {  	v23 =	vld [tilespmem:$0x90]  }
0x51: {  	v41 =	vld [tilespmem:$0xF0]  }
0x52: {  	v24 =	vld [tilespmem:$0x220];
	vm1 =	vlt.s32 v4, $0x0  }
0x53: {  	v25 =	vld [tilespmem:$0xA0];
	vm2 =	vlt.s32 v8, $0x0;
	v4 =	vsel vm1, v5, v4;
	vm1 =	vlt.s32 v6, $0x0  }
0x54: {  	v26 =	vld [tilespmem:$0x230];
	v59 =	vsel vm2, v9, v8;
	vm2 =	vlt.s32 v38, $0x0;
	v6 =	vsel vm1, v7, v6  }
0x55: {  	v60 =	vld [tilespmem:$0x240];
	vm1 =	vlt.s32 v10, $0x0;
	v61 =	vadd.s32 v0, v4;
	v27 =	vadd.s32 v0, v59  }
0x56: {  	v62 =	vld [tilespmem:$0xC0];
	v52 =	vsel vm2, v41, v38;
	v4 =	vand.u32 $0x7, v4;
	v10 =	vsel vm1, v11, v10  }
0x57: {  	v63 =	vld [tilespmem:$0x250];
	vm1 =	vlt.s32 v12, $0x0;
	v6 =	vadd.s32 v0, v6;
	[tilespmem:$0x320] =	vst v27;
	v9 =	vshll.u32 v61, $0x1  }
0x58: {  	v29 =	vld [tilespmem:$0xD0];
	[tilespmem:$0x300] =	vst v61;
	v12 =	vsel vm1, v13, v12;
	vm1 =	vlt.s32 v14, $0x0;
	v30 =	vadd.s32 v0, v10  }
0x59: {  	v32 =	vld [tilespmem:$0x260];
	[tilespmem:$0x310] =	vst v6;
	v9 =	vand.u32 $0xFFFFFFF0, v9;
	v28 =	vsel vm1, v15, v14;
	vm1 =	vlt.s32 v16, $0x0  }
0x5a: {  	v5 =	vld [tilespmem:$0xB0];
	[tilespmem:$0x330] =	vst v30;
	v33 =	vadd.s32 v0, v12;
	v31 =	vsel vm1, v17, v16;
	vm1 =	vlt.s32 v18, $0x0  }
0x5b: {  	v35 =	vld [tilespmem:$0xE0];
	[tilespmem:$0x340] =	vst v33;
	v36 =	vadd.s32 v0, v28;
	v34 =	vsel vm1, v19, v18;
	vm1 =	vlt.s32 v20, $0x0  }
0x5c: {  	v44 =	vld [tilespmem:$0x280];
	[tilespmem:$0x350] =	vst v36;
	v39 =	vadd.s32 v0, v31;
	v37 =	vsel vm1, v21, v20;
	vm1 =	vlt.s32 v22, $0x0  }
0x5d: {  	v46 =	vld [tilespmem:$0x100];
	[tilespmem:$0x360] =	vst v39;
	v42 =	vadd.s32 v0, v34;
	v40 =	vsel vm1, v23, v22;
	vm1 =	vlt.s32 v24, $0x0  }
0x5e: {  	v48 =	vld [tilespmem:$0x290];
	[tilespmem:$0x370] =	vst v42;
	v45 =	vadd.s32 v0, v37;
	v43 =	vsel vm1, v25, v24;
	vm1 =	vlt.s32 v26, $0x0  }
0x5f: {  	v50 =	vld [tilespmem:$0x110];
	[tilespmem:$0x380] =	vst v45;
	v47 =	vadd.s32 v0, v40;
	v5 =	vsel vm1, v5, v26;
	vm1 =	vlt.s32 v60, $0x0  }
0x60: {  	v54 =	vld [tilespmem:$0x2A0];
	v4 =	vor.u32 v4, v9;
	[tilespmem:$0x390] =	vst v47;
	v53 =	vadd.s32 v0, v43;
	v8 =	vsel vm1, v62, v60  }
0x61: {  	v56 =	vld [tilespmem:$0x120];
	vm1 =	vlt.s32 v63, $0x0;
	[tilespmem:$0x3A0] =	vst v53;
	v5 =	vadd.s32 v0, v5;
	v60 =	vperm.xlane v4, v1  }
0x62: {  	v57 =	vld [tilespmem:$0x2B0];
	v62 =	vadd.s32 v0, v52;
	v49 =	vsel vm1, v29, v63;
	vm1 =	vlt.s32 v32, $0x0;
	[tilespmem:$0x3B0] =	vst v5  }
0x63: {  	v59 =	vld [tilespmem:$0x130];
	v4 =	vperm.xlane v4, v3;
	v55 =	vadd.s32 v0, v8;
	[tilespmem:$0x3F0] =	vst v62;
	v51 =	vsel vm1, v35, v32  }
0x64: {  	v5 =	vadd.s32 v0, v49;
	[tilespmem:$0x3C0] =	vst v55;
	vm1 =	vlt.s32 v44, $0x0;
	v7 =	vadd.s32 v2, v60  }
0x65: {  	v58 =	vadd.s32 v0, v51;
	[tilespmem:$0x3D0] =	vst v5;
	v5 =	vsel vm1, v46, v44;
	vm1 =	vlt.s32 v48, $0x0  }
0x66: {  	[tilespmem:$0x3E0] =	vst v58;
	v61 =	vsel vm1, v50, v48;
	v5 =	vadd.s32 v0, v5;
	vm1 =	vlt.s32 v54, $0x0  }
0x67: {  	[tilespmem:$0x400] =	vst v5;
	v5 =	vsel vm1, v56, v54;
	v6 =	vadd.s32 v0, v61;
	vm1 =	vlt.s32 v57, $0x0  }
0x68: {  	v4 =	vadd.s32 v2, v4;
	[tilespmem:$0x410] =	vst v6;
	v63 =	vsel vm1, v59, v57;
	v5 =	vadd.s32 v0, v5  }
0x69: {  	[tilespmem:$0x420] =	vst v5;
	v5 =	vadd.s32 v0, v63  }
0x6a: {  	[tilespmem:$0x430] =	vst v5  }
0x6b: {  	[tilespmem:s9], [sflag:$0x2] =	stream.indirect_vreg.gather [hbm4b:s4+s2], $0x80, v7, vm0, $0xb8;
	[tilespmem:$0x14480] =	vst v63  }
0x6c: {  	s17 =	rddreg [dreg:$0xd]  }
0x6d: {  	[tilespmem:s17], [sflag:$0x2] =	stream.indirect_vreg.gather [hbm4b:s4+s2], $0x80, v4, vm0, $0xb8;
	[tilespmem:$0x14480] =	vst v63  }
0x6e: {  	v4 =	vld [tilespmem:$0x310];
	_ =	sdelay $0x4  }
0x6f: {  	v5 =	vshll.u32 v4, $0x1  }
0x70: {  	v4 =	vand.u32 $0x7, v4;
	v5 =	vand.u32 $0xFFFFFFF0, v5  }
0x71: {  	v4 =	vor.u32 v4, v5  }
0x72: {  	v5 =	vperm.xlane v4, v1;
	_ =	sdelay $0x1  }
0x73: {  	v4 =	vperm.xlane v4, v3;
	v5 =	vadd.s32 v2, v5;
	_ =	sdelay $0x1  }
0x74: {  	v4 =	vadd.s32 v2, v4;
	_ =	sdelay $0x1  }
0x75: {  	s16 =	rddreg [dreg:$0xe]  }
0x76: {  	[tilespmem:s16], [sflag:$0x2] =	stream.indirect_vreg.gather [hbm4b:s4+s2], $0x80, v5, vm0, $0xb8;
	[tilespmem:$0x14480] =	vst v63  }
0x77: {  	s17 =	rddreg [dreg:$0xf]  }
0x78: {  	[tilespmem:s17], [sflag:$0x2] =	stream.indirect_vreg.gather [hbm4b:s4+s2], $0x80, v4, vm0, $0xb8;
	[tilespmem:$0x14480] =	vst v63  }
0x79: {  	v4 =	vld.msk [tilespmem:$0x320], $0xff;
	_ =	sdelay $0x4  }
0x7a: {  	v5 =	vshll.u32 v4, $0x1  }
0x7b: {  	v4 =	vand.u32 $0x7, v4;
	v5 =	vand.u32 $0xFFFFFFF0, v5  }
0x7c: {  	v4 =	vor.u32 v4, v5  }
0x7d: {  	v4 =	vperm.xlane v4, v1;
	_ =	sdelay $0x1  }
0x7e: {  	v4 =	vadd.s32 v2, v4;
	_ =	sdelay $0x3  }
0x7f: {  	s16 =	rddreg [dreg:$0x10]  }
0x80: {  	[tilespmem:s16], [sflag:$0x2] =	stream.indirect_vreg.gather [hbm4b:s4+s2], $0x80, v4, vm0, $0xb8;
	[tilespmem:$0x14480] =	vst v63  }
0x81: {  	v4 =	vld [tilespmem:$0x328];
	_ =	sdelay $0x4  }
0x82: {  	v5 =	vshll.u32 v4, $0x1  }
0x83: {  	v4 =	vand.u32 $0x7, v4;
	v5 =	vand.u32 $0xFFFFFFF0, v5  }
0x84: {  	v4 =	vor.u32 v4, v5  }
0x85: {  	v5 =	vperm.xlane v4, v1;
	_ =	sdelay $0x1  }
0x86: {  	v4 =	vperm.xlane v4, v3;
	v5 =	vadd.s32 v2, v5;
	_ =	sdelay $0x1  }
0x87: {  	v4 =	vadd.s32 v2, v4;
	_ =	sdelay $0x2  }
0x88: {  	[tilespmem:s10], [sflag:$0x3] =	stream.indirect_vreg.gather [hbm4b:s4+s2], $0x80, v5, vm0, $0xb8;
	[tilespmem:$0x14480] =	vst v63  }
0x89: {  	s17 =	rddreg [dreg:$0x11]  }
0x8a: {  	[tilespmem:s17], [sflag:$0x3] =	stream.indirect_vreg.gather [hbm4b:s4+s2], $0x80, v4, vm0, $0xb8;
	[tilespmem:$0x14480] =	vst v63  }
0x8b: {  	v4 =	vld [tilespmem:$0x338];
	_ =	sdelay $0x4  }
0x8c: {  	v5 =	vshll.u32 v4, $0x1  }
0x8d: {  	v4 =	vand.u32 $0x7, v4;
	v5 =	vand.u32 $0xFFFFFFF0, v5  }
0x8e: {  	v4 =	vor.u32 v4, v5  }
0x8f: {  	v5 =	vperm.xlane v4, v1;
	_ =	sdelay $0x1  }
0x90: {  	v4 =	vperm.xlane v4, v3;
	v5 =	vadd.s32 v2, v5;
	_ =	sdelay $0x1  }
0x91: {  	v4 =	vadd.s32 v2, v4;
	_ =	sdelay $0x1  }
0x92: {  	s16 =	rddreg [dreg:$0x12]  }
0x93: {  	[tilespmem:s16], [sflag:$0x3] =	stream.indirect_vreg.gather [hbm4b:s4+s2], $0x80, v5, vm0, $0xb8;
	[tilespmem:$0x14480] =	vst v63  }
0x94: {  	s17 =	rddreg [dreg:$0x13]  }
0x95: {  	[tilespmem:s17], [sflag:$0x3] =	stream.indirect_vreg.gather [hbm4b:s4+s2], $0x80, v4, vm0, $0xb8;
	[tilespmem:$0x14480] =	vst v63  }
0x96: {  	v4 =	vld.msk [tilespmem:$0x348], $0xff;
	_ =	sdelay $0x4  }
0x97: {  	v5 =	vshll.u32 v4, $0x1  }
0x98: {  	v4 =	vand.u32 $0x7, v4;
	v5 =	vand.u32 $0xFFFFFFF0, v5  }
0x99: {  	v4 =	vor.u32 v4, v5  }
0x9a: {  	v4 =	vperm.xlane v4, v1;
	_ =	sdelay $0x1  }
0x9b: {  	v4 =	vadd.s32 v2, v4;
	_ =	sdelay $0x3  }
0x9c: {  	s16 =	rddreg [dreg:$0x14]  }
0x9d: {  	[tilespmem:s16], [sflag:$0x3] =	stream.indirect_vreg.gather [hbm4b:s4+s2], $0x80, v4, vm0, $0xb8;
	[tilespmem:$0x14480] =	vst v63  }
0x9e: {  	v4 =	vld [tilespmem:$0x350];
	_ =	sdelay $0x4  }
0x9f: {  	v5 =	vshll.u32 v4, $0x1  }
0xa0: {  	v4 =	vand.u32 $0x7, v4;
	v5 =	vand.u32 $0xFFFFFFF0, v5  }
0xa1: {  	v4 =	vor.u32 v4, v5  }
0xa2: {  	v5 =	vperm.xlane v4, v1;
	_ =	sdelay $0x1  }
0xa3: {  	v4 =	vperm.xlane v4, v3;
	v5 =	vadd.s32 v2, v5;
	_ =	sdelay $0x1  }
0xa4: {  	v4 =	vadd.s32 v2, v4;
	_ =	sdelay $0x2  }
0xa5: {  	[tilespmem:s11], [sflag:$0x4] =	stream.indirect_vreg.gather [hbm4b:s4+s2], $0x80, v5, vm0, $0xb8;
	[tilespmem:$0x14480] =	vst v63  }
0xa6: {  	s17 =	rddreg [dreg:$0x15]  }
0xa7: {  	[tilespmem:s17], [sflag:$0x4] =	stream.indirect_vreg.gather [hbm4b:s4+s2], $0x80, v4, vm0, $0xb8;
	[tilespmem:$0x14480] =	vst v63  }
0xa8: {  	v4 =	vld [tilespmem:$0x360];
	_ =	sdelay $0x4  }
0xa9: {  	v5 =	vshll.u32 v4, $0x1  }
0xaa: {  	v4 =	vand.u32 $0x7, v4;
	v5 =	vand.u32 $0xFFFFFFF0, v5  }
0xab: {  	v4 =	vor.u32 v4, v5  }
0xac: {  	v5 =	vperm.xlane v4, v1;
	_ =	sdelay $0x1  }
0xad: {  	v4 =	vperm.xlane v4, v3;
	v5 =	vadd.s32 v2, v5;
	_ =	sdelay $0x1  }
0xae: {  	v4 =	vadd.s32 v2, v4;
	_ =	sdelay $0x1  }
0xaf: {  	s16 =	rddreg [dreg:$0x16]  }
0xb0: {  	[tilespmem:s16], [sflag:$0x4] =	stream.indirect_vreg.gather [hbm4b:s4+s2], $0x80, v5, vm0, $0xb8;
	[tilespmem:$0x14480] =	vst v63  }
0xb1: {  	s17 =	rddreg [dreg:$0x17]  }
0xb2: {  	[tilespmem:s17], [sflag:$0x4] =	stream.indirect_vreg.gather [hbm4b:s4+s2], $0x80, v4, vm0, $0xb8;
	[tilespmem:$0x14480] =	vst v63  }
0xb3: {  	v4 =	vld.msk [tilespmem:$0x370], $0xff;
	_ =	sdelay $0x4  }
0xb4: {  	v5 =	vshll.u32 v4, $0x1  }
0xb5: {  	v4 =	vand.u32 $0x7, v4;
	v5 =	vand.u32 $0xFFFFFFF0, v5  }
0xb6: {  	v4 =	vor.u32 v4, v5  }
0xb7: {  	v4 =	vperm.xlane v4, v1;
	_ =	sdelay $0x1  }
0xb8: {  	v4 =	vadd.s32 v2, v4;
	_ =	sdelay $0x3  }
0xb9: {  	s16 =	rddreg [dreg:$0x18]  }
0xba: {  	[tilespmem:s16], [sflag:$0x4] =	stream.indirect_vreg.gather [hbm4b:s4+s2], $0x80, v4, vm0, $0xb8;
	[tilespmem:$0x14480] =	vst v63  }
0xbb: {  	v4 =	vld [tilespmem:$0x378];
	_ =	sdelay $0x4  }
0xbc: {  	v5 =	vshll.u32 v4, $0x1  }
0xbd: {  	v4 =	vand.u32 $0x7, v4;
	v5 =	vand.u32 $0xFFFFFFF0, v5  }
0xbe: {  	v4 =	vor.u32 v4, v5  }
0xbf: {  	v5 =	vperm.xlane v4, v1;
	_ =	sdelay $0x1  }
0xc0: {  	v4 =	vperm.xlane v4, v3;
	v5 =	vadd.s32 v2, v5;
	_ =	sdelay $0x1  }
0xc1: {  	v4 =	vadd.s32 v2, v4;
	_ =	sdelay $0x2  }
0xc2: {  	[tilespmem:s12], [sflag:$0x5] =	stream.indirect_vreg.gather [hbm4b:s4+s2], $0x80, v5, vm0, $0xb8;
	[tilespmem:$0x14480] =	vst v63  }
0xc3: {  	s17 =	rddreg [dreg:$0x19]  }
0xc4: {  	[tilespmem:s17], [sflag:$0x5] =	stream.indirect_vreg.gather [hbm4b:s4+s2], $0x80, v4, vm0, $0xb8;
	[tilespmem:$0x14480] =	vst v63  }
0xc5: {  	v4 =	vld [tilespmem:$0x388];
	_ =	sdelay $0x4  }
0xc6: {  	v5 =	vshll.u32 v4, $0x1  }
0xc7: {  	v4 =	vand.u32 $0x7, v4;
	v5 =	vand.u32 $0xFFFFFFF0, v5  }
0xc8: {  	v4 =	vor.u32 v4, v5  }
0xc9: {  	v5 =	vperm.xlane v4, v1;
	_ =	sdelay $0x1  }
0xca: {  	v4 =	vperm.xlane v4, v3;
	v5 =	vadd.s32 v2, v5;
	_ =	sdelay $0x1  }
0xcb: {  	v4 =	vadd.s32 v2, v4;
	_ =	sdelay $0x1  }
0xcc: {  	s16 =	rddreg [dreg:$0x1a]  }
0xcd: {  	[tilespmem:s16], [sflag:$0x5] =	stream.indirect_vreg.gather [hbm4b:s4+s2], $0x80, v5, vm0, $0xb8;
	[tilespmem:$0x14480] =	vst v63  }
0xce: {  	s17 =	rddreg [dreg:$0x1b]  }
0xcf: {  	[tilespmem:s17], [sflag:$0x5] =	stream.indirect_vreg.gather [hbm4b:s4+s2], $0x80, v4, vm0, $0xb8;
	[tilespmem:$0x14480] =	vst v63  }
0xd0: {  	v4 =	vld.msk [tilespmem:$0x398], $0xff;
	_ =	sdelay $0x4  }
0xd1: {  	v5 =	vshll.u32 v4, $0x1  }
0xd2: {  	v4 =	vand.u32 $0x7, v4;
	v5 =	vand.u32 $0xFFFFFFF0, v5  }
0xd3: {  	v4 =	vor.u32 v4, v5  }
0xd4: {  	v4 =	vperm.xlane v4, v1;
	_ =	sdelay $0x1  }
0xd5: {  	v4 =	vadd.s32 v2, v4;
	_ =	sdelay $0x3  }
0xd6: {  	s16 =	rddreg [dreg:$0x1c]  }
0xd7: {  	[tilespmem:s16], [sflag:$0x5] =	stream.indirect_vreg.gather [hbm4b:s4+s2], $0x80, v4, vm0, $0xb8;
	[tilespmem:$0x14480] =	vst v63  }
0xd8: {  	v4 =	vld [tilespmem:$0x3A0];
	_ =	sdelay $0x4  }
0xd9: {  	v5 =	vshll.u32 v4, $0x1  }
0xda: {  	v4 =	vand.u32 $0x7, v4;
	v5 =	vand.u32 $0xFFFFFFF0, v5  }
0xdb: {  	v4 =	vor.u32 v4, v5  }
0xdc: {  	v5 =	vperm.xlane v4, v1;
	_ =	sdelay $0x1  }
0xdd: {  	v4 =	vperm.xlane v4, v3;
	v5 =	vadd.s32 v2, v5;
	_ =	sdelay $0x1  }
0xde: {  	v4 =	vadd.s32 v2, v4;
	_ =	sdelay $0x2  }
0xdf: {  	[tilespmem:s13], [sflag:$0x6] =	stream.indirect_vreg.gather [hbm4b:s4+s2], $0x80, v5, vm0, $0xb8;
	[tilespmem:$0x14480] =	vst v63  }
0xe0: {  	s17 =	rddreg [dreg:$0x1d]  }
0xe1: {  	[tilespmem:s17], [sflag:$0x6] =	stream.indirect_vreg.gather [hbm4b:s4+s2], $0x80, v4, vm0, $0xb8;
	[tilespmem:$0x14480] =	vst v63  }
0xe2: {  	v4 =	vld [tilespmem:$0x3B0];
	_ =	sdelay $0x4  }
0xe3: {  	v5 =	vshll.u32 v4, $0x1  }
0xe4: {  	v4 =	vand.u32 $0x7, v4;
	v5 =	vand.u32 $0xFFFFFFF0, v5  }
0xe5: {  	v4 =	vor.u32 v4, v5  }
0xe6: {  	v5 =	vperm.xlane v4, v1;
	_ =	sdelay $0x1  }
0xe7: {  	v4 =	vperm.xlane v4, v3;
	v5 =	vadd.s32 v2, v5;
	_ =	sdelay $0x1  }
0xe8: {  	v4 =	vadd.s32 v2, v4;
	_ =	sdelay $0x1  }
0xe9: {  	s16 =	rddreg [dreg:$0x1e]  }
0xea: {  	[tilespmem:s16], [sflag:$0x6] =	stream.indirect_vreg.gather [hbm4b:s4+s2], $0x80, v5, vm0, $0xb8;
	[tilespmem:$0x14480] =	vst v63  }
0xeb: {  	s17 =	rddreg [dreg:$0x1f]  }
0xec: {  	[tilespmem:s17], [sflag:$0x6] =	stream.indirect_vreg.gather [hbm4b:s4+s2], $0x80, v4, vm0, $0xb8;
	[tilespmem:$0x14480] =	vst v63  }
0xed: {  	v4 =	vld.msk [tilespmem:$0x3C0], $0xff;
	_ =	sdelay $0x4  }
0xee: {  	v5 =	vshll.u32 v4, $0x1  }
0xef: {  	v4 =	vand.u32 $0x7, v4;
	v5 =	vand.u32 $0xFFFFFFF0, v5  }
0xf0: {  	v4 =	vor.u32 v4, v5  }
0xf1: {  	v4 =	vperm.xlane v4, v1;
	_ =	sdelay $0x1  }
0xf2: {  	v4 =	vadd.s32 v2, v4;
	_ =	sdelay $0x1  }
0xf3: {  	s16 =	sld [smem:$0x7F7];
	_ =	sdelay $0x2  }
0xf4: {  	[tilespmem:s16], [sflag:$0x6] =	stream.indirect_vreg.gather [hbm4b:s4+s2], $0x80, v4, vm0, $0xb8;
	[tilespmem:$0x14480] =	vst v63  }
0xf5: {  	v4 =	vld [tilespmem:$0x3C8];
	_ =	sdelay $0x4  }
0xf6: {  	v5 =	vshll.u32 v4, $0x1  }
0xf7: {  	v4 =	vand.u32 $0x7, v4;
	v5 =	vand.u32 $0xFFFFFFF0, v5  }
0xf8: {  	v4 =	vor.u32 v4, v5  }
0xf9: {  	v5 =	vperm.xlane v4, v1;
	_ =	sdelay $0x1  }
0xfa: {  	v4 =	vperm.xlane v4, v3;
	v5 =	vadd.s32 v2, v5;
	_ =	sdelay $0x1  }
0xfb: {  	v4 =	vadd.s32 v2, v4;
	_ =	sdelay $0x1  }
0xfc: {  	s17 =	sld [smem:$0x7F8]  }
0xfd: {  	[tilespmem:s14], [sflag:$0x7] =	stream.indirect_vreg.gather [hbm4b:s4+s2], $0x80, v5, vm0, $0xb8;
	[tilespmem:$0x14480] =	vst v63  }
0xfe: {  	_ = 	snop  }
0xff: {  	[tilespmem:s17], [sflag:$0x7] =	stream.indirect_vreg.gather [hbm4b:s4+s2], $0x80, v4, vm0, $0xb8;
	[tilespmem:$0x14480] =	vst v63  }
0x100: {  	v4 =	vld [tilespmem:$0x3D8];
	_ =	sdelay $0x4  }
0x101: {  	v5 =	vshll.u32 v4, $0x1  }
0x102: {  	v4 =	vand.u32 $0x7, v4;
	v5 =	vand.u32 $0xFFFFFFF0, v5  }
0x103: {  	v4 =	vor.u32 v4, v5  }
0x104: {  	v5 =	vperm.xlane v4, v1;
	_ =	sdelay $0x1  }
0x105: {  	v4 =	vperm.xlane v4, v3;
	v5 =	vadd.s32 v2, v5;
	_ =	sdelay $0x1  }
0x106: {  	s16 =	sld [smem:$0x7F9];
	v4 =	vadd.s32 v2, v4;
	_ =	sdelay $0x1  }
0x107: {  	s17 =	sld [smem:$0x7FA]  }
0x108: {  	[tilespmem:s16], [sflag:$0x7] =	stream.indirect_vreg.gather [hbm4b:s4+s2], $0x80, v5, vm0, $0xb8;
	[tilespmem:$0x14480] =	vst v63  }
0x109: {  	_ = 	snop  }
0x10a: {  	[tilespmem:s17], [sflag:$0x7] =	stream.indirect_vreg.gather [hbm4b:s4+s2], $0x80, v4, vm0, $0xb8;
	[tilespmem:$0x14480] =	vst v63  }
0x10b: {  	v4 =	vld.msk [tilespmem:$0x3E8], $0xff;
	_ =	sdelay $0x4  }
0x10c: {  	v5 =	vshll.u32 v4, $0x1  }
0x10d: {  	v4 =	vand.u32 $0x7, v4;
	v5 =	vand.u32 $0xFFFFFFF0, v5  }
0x10e: {  	v4 =	vor.u32 v4, v5  }
0x10f: {  	v4 =	vperm.xlane v4, v1;
	_ =	sdelay $0x1  }
0x110: {  	v4 =	vadd.s32 v2, v4;
	_ =	sdelay $0x1  }
0x111: {  	s16 =	sld [smem:$0x7FB];
	_ =	sdelay $0x2  }
0x112: {  	[tilespmem:s16], [sflag:$0x7] =	stream.indirect_vreg.gather [hbm4b:s4+s2], $0x80, v4, vm0, $0xb8;
	[tilespmem:$0x14480] =	vst v63  }
0x113: {  	v4 =	vld [tilespmem:$0x3F0];
	_ =	sdelay $0x4  }
0x114: {  	v5 =	vshll.u32 v4, $0x1  }
0x115: {  	v4 =	vand.u32 $0x7, v4;
	v5 =	vand.u32 $0xFFFFFFF0, v5  }
0x116: {  	v4 =	vor.u32 v4, v5  }
0x117: {  	v5 =	vperm.xlane v4, v1;
	_ =	sdelay $0x1  }
0x118: {  	v4 =	vperm.xlane v4, v3;
	v5 =	vadd.s32 v2, v5;
	_ =	sdelay $0x1  }
0x119: {  	v4 =	vadd.s32 v2, v4;
	_ =	sdelay $0x1  }
0x11a: {  	s17 =	sld [smem:$0x7FC]  }
0x11b: {  	[tilespmem:s15], [sflag:$0x8] =	stream.indirect_vreg.gather [hbm4b:s4+s2], $0x80, v5, vm0, $0xb8;
	[tilespmem:$0x14480] =	vst v63  }
0x11c: {  	_ = 	snop  }
0x11d: {  	[tilespmem:s17], [sflag:$0x8] =	stream.indirect_vreg.gather [hbm4b:s4+s2], $0x80, v4, vm0, $0xb8;
	[tilespmem:$0x14480] =	vst v63  }
0x11e: {  	v4 =	vld [tilespmem:$0x400];
	_ =	sdelay $0x4  }
0x11f: {  	v5 =	vshll.u32 v4, $0x1  }
0x120: {  	v4 =	vand.u32 $0x7, v4;
	v5 =	vand.u32 $0xFFFFFFF0, v5  }
0x121: {  	v4 =	vor.u32 v4, v5  }
0x122: {  	v5 =	vperm.xlane v4, v1;
	_ =	sdelay $0x1  }
0x123: {  	v4 =	vperm.xlane v4, v3;
	v5 =	vadd.s32 v2, v5;
	_ =	sdelay $0x1  }
0x124: {  	s16 =	sld [smem:$0x7FD];
	v4 =	vadd.s32 v2, v4;
	_ =	sdelay $0x2  }
0x125: {  	[tilespmem:s16], [sflag:$0x8] =	stream.indirect_vreg.gather [hbm4b:s4+s2], $0x80, v5, vm0, $0xb8;
	[tilespmem:$0x14480] =	vst v63  }
0x126: {  	s17 =	simm.s32 $0x10C80  }
0x127: {  	[tilespmem:s17], [sflag:$0x8] =	stream.indirect_vreg.gather [hbm4b:s4+s2], $0x80, v4, vm0, $0xb8;
	[tilespmem:$0x14480] =	vst v63  }
0x128: {  	v4 =	vld.msk [tilespmem:$0x410], $0xff;
	_ =	sdelay $0x4  }
0x129: {  	v5 =	vshll.u32 v4, $0x1  }
0x12a: {  	v4 =	vand.u32 $0x7, v4;
	v5 =	vand.u32 $0xFFFFFFF0, v5  }
0x12b: {  	v4 =	vor.u32 v4, v5  }
0x12c: {  	v4 =	vperm.xlane v4, v1;
	_ =	sdelay $0x1  }
0x12d: {  	v4 =	vadd.s32 v2, v4;
	_ =	sdelay $0x3  }
0x12e: {  	s16 =	simm.s32 $0x11480  }
0x12f: {  	[tilespmem:s16], [sflag:$0x8] =	stream.indirect_vreg.gather [hbm4b:s4+s2], $0x80, v4, vm0, $0xb8;
	[tilespmem:$0x14480] =	vst v63  }
0x130: {  	v4 =	vld [tilespmem:$0x418];
	_ =	sdelay $0x4  }
0x131: {  	v5 =	vshll.u32 v4, $0x1  }
0x132: {  	v4 =	vand.u32 $0x7, v4;
	v5 =	vand.u32 $0xFFFFFFF0, v5  }
0x133: {  	v4 =	vor.u32 v4, v5  }
0x134: {  	v5 =	vperm.xlane v4, v1;
	_ =	sdelay $0x1  }
0x135: {  	v4 =	vperm.xlane v4, v3;
	v5 =	vadd.s32 v2, v5;
	_ =	sdelay $0x1  }
0x136: {  	v4 =	vadd.s32 v2, v4;
	_ =	sdelay $0x2  }
0x137: {  	[tilespmem:s18], [sflag:$0x9] =	stream.indirect_vreg.gather [hbm4b:s4+s2], $0x80, v5, vm0, $0xb8;
	[tilespmem:$0x14480] =	vst v63  }
0x138: {  	_ = 	snop  }
0x139: {  	[tilespmem:s19], [sflag:$0x9] =	stream.indirect_vreg.gather [hbm4b:s4+s2], $0x80, v4, vm0, $0xb8;
	[tilespmem:$0x14480] =	vst v63  }
0x13a: {  	v4 =	vld [tilespmem:$0x428];
	_ =	sdelay $0x4  }
0x13b: {  	v5 =	vshll.u32 v4, $0x1  }
0x13c: {  	v4 =	vand.u32 $0x7, v4;
	v5 =	vand.u32 $0xFFFFFFF0, v5  }
0x13d: {  	v4 =	vor.u32 v4, v5  }
0x13e: {  	v5 =	vperm.xlane v4, v1;
	_ =	sdelay $0x1  }
0x13f: {  	v4 =	vperm.xlane v4, v3;
	v5 =	vadd.s32 v2, v5;
	_ =	sdelay $0x1  }
0x140: {  	v4 =	vadd.s32 v2, v4;
	_ =	sdelay $0x2  }
0x141: {  	[tilespmem:s20], [sflag:$0x9] =	stream.indirect_vreg.gather [hbm4b:s4+s2], $0x80, v5, vm0, $0xb8;
	[tilespmem:$0x14480] =	vst v63  }
0x142: {  	_ = 	snop  }
0x143: {  	[tilespmem:s21], [sflag:$0x9] =	stream.indirect_vreg.gather [hbm4b:s4+s2], $0x80, v4, vm0, $0xb8;
	[tilespmem:$0x14480] =	vst v63  }
0x144: {  	v4 =	vld.msk [tilespmem:$0x438], $0xff;
	_ =	sdelay $0x4  }
0x145: {  	v5 =	vshll.u32 v4, $0x1  }
0x146: {  	v4 =	vand.u32 $0x7, v4;
	v5 =	vand.u32 $0xFFFFFFF0, v5  }
0x147: {  	v4 =	vor.u32 v4, v5  }
0x148: {  	v4 =	vperm.xlane v4, v1;
	_ =	sdelay $0x1  }
0x149: {  	v4 =	vadd.s32 v2, v4;
	_ =	sdelay $0x4  }
0x14a: {  	[tilespmem:s22], [sflag:$0x9] =	stream.indirect_vreg.gather [hbm4b:s4+s2], $0x80, v4, vm0, $0xb8;
	[tilespmem:$0x14480] =	vst v63  }
0x14b: {  	_ =	swait.ge [sflag:s23], $0x2800  }
0x14c: {  	[sflag:s23] =	ssyncset.done $0x0  }
0x14d: {  	[sflag:s23] =	ssyncadd.s32 $0xFFFFD800  }
0x14e: {  	[hbm4b:s3+s2] =	stream.linear.scatter [tilespmem:s9], [sflag:$0xA], $0x2800, $0x38;
	[tilespmem:$0x14480] =	vst v63  }
0x14f: {  	_ =	swait.ge [sflag:s24], $0x2800  }
0x150: {  	[sflag:s24] =	ssyncset.done $0x0  }
0x151: {  	s17 =	rddreg [dreg:$0x3];
	[sflag:s24] =	ssyncadd.s32 $0xFFFFD800  }
0x152: {  	[hbm4b:s17+s2] =	stream.linear.scatter [tilespmem:s10], [sflag:$0xA], $0x2800, $0x38;
	[tilespmem:$0x14480] =	vst v63  }
0x153: {  	_ =	swait.ge [sflag:s25], $0x2800  }
0x154: {  	[sflag:s25] =	ssyncset.done $0x0  }
0x155: {  	s16 =	rddreg [dreg:$0x4];
	[sflag:s25] =	ssyncadd.s32 $0xFFFFD800  }
0x156: {  	[hbm4b:s16+s2] =	stream.linear.scatter [tilespmem:s11], [sflag:$0xA], $0x2800, $0x38;
	[tilespmem:$0x14480] =	vst v63  }
0x157: {  	_ =	swait.ge [sflag:s26], $0x2800  }
0x158: {  	[sflag:s26] =	ssyncset.done $0x0  }
0x159: {  	s17 =	rddreg [dreg:$0x5];
	[sflag:s26] =	ssyncadd.s32 $0xFFFFD800  }
0x15a: {  	[hbm4b:s17+s2] =	stream.linear.scatter [tilespmem:s12], [sflag:$0xA], $0x2800, $0x38;
	[tilespmem:$0x14480] =	vst v63  }
0x15b: {  	_ =	swait.ge [sflag:s28], $0x2800  }
0x15c: {  	[sflag:s28] =	ssyncset.done $0x0  }
0x15d: {  	s16 =	rddreg [dreg:$0x6];
	[sflag:s28] =	ssyncadd.s32 $0xFFFFD800  }
0x15e: {  	[hbm4b:s16+s2] =	stream.linear.scatter [tilespmem:s13], [sflag:$0xA], $0x2800, $0x38;
	[tilespmem:$0x14480] =	vst v63  }
0x15f: {  	_ =	swait.ge [sflag:s29], $0x2800  }
0x160: {  	[sflag:s29] =	ssyncset.done $0x0  }
0x161: {  	s17 =	rddreg [dreg:$0x7];
	[sflag:s29] =	ssyncadd.s32 $0xFFFFD800  }
0x162: {  	[hbm4b:s17+s2] =	stream.linear.scatter [tilespmem:s14], [sflag:$0xA], $0x2800, $0x38;
	[tilespmem:$0x14480] =	vst v63  }
0x163: {  	_ =	swait.ge [sflag:s30], $0x2800  }
0x164: {  	[sflag:s30] =	ssyncset.done $0x0  }
0x165: {  	s16 =	rddreg [dreg:$0x8];
	[sflag:s30] =	ssyncadd.s32 $0xFFFFD800  }
0x166: {  	[hbm4b:s16+s2] =	stream.linear.scatter [tilespmem:s15], [sflag:$0xA], $0x2800, $0x38;
	[tilespmem:$0x14480] =	vst v63  }
0x167: {  	_ =	swait.ge [sflag:s31], $0x2800  }
0x168: {  	[sflag:s31] =	ssyncset.done $0x0  }
0x169: {  	s17 =	rddreg [dreg:$0x9];
	[sflag:s31] =	ssyncadd.s32 $0xFFFFD800  }
0x16a: {  	[hbm4b:s17+s2] =	stream.linear.scatter [tilespmem:s18], [sflag:$0xA], $0x2800, $0x38;
	[tilespmem:$0x14480] =	vst v63  }
0x16b: {  	_ =	swait.ge [sflag:s1], $0x2800  }
0x16c: {  	[sflag:s1] =	ssyncset.done $0x0  }
0x16d: {  	[sflag:s1] =	ssyncadd.s32 $0xFFFFD800  }
0x16e: {  	_ =	swait.ge [sflag:s1], $0x2800  }
0x16f: {  	[sflag:s1] =	ssyncset.done $0x0  }
0x170: {  	[sflag:s1] =	ssyncadd.s32 $0xFFFFD800  }
0x171: {  	_ =	swait.ge [sflag:s1], $0x2800  }
0x172: {  	[sflag:s1] =	ssyncset.done $0x0  }
0x173: {  	[sflag:s1] =	ssyncadd.s32 $0xFFFFD800  }
0x174: {  	_ =	swait.ge [sflag:s1], $0x2800  }
0x175: {  	[sflag:s1] =	ssyncset.done $0x0  }
0x176: {  	[sflag:s1] =	ssyncadd.s32 $0xFFFFD800  }
0x177: {  	_ =	swait.ge [sflag:s1], $0x2800  }
0x178: {  	[sflag:s1] =	ssyncset.done $0x0  }
0x179: {  	[sflag:s1] =	ssyncadd.s32 $0xFFFFD800  }
0x17a: {  	_ =	swait.ge [sflag:s1], $0x2800  }
0x17b: {  	[sflag:s1] =	ssyncset.done $0x0  }
0x17c: {  	[sflag:s1] =	ssyncadd.s32 $0xFFFFD800  }
0x17d: {  	p0 =	sne.s32 s5, $0x1;
	_ =	swait.ge [sflag:s1], $0x2800  }
.Ltmp1:
0x17e: {  	[sflag:s1] =	ssyncset.done $0x0;
	(pc) =	sbr.rel @p0 .LBB2_2-.Ltmp1, $4  }
0x17f: {  	[sflag:s1] =	ssyncadd.s32 $0xFFFFD800  }
0x180: {  	_ =	swait.ge [sflag:s1], $0x2800  }
0x181: {  	[sflag:s1] =	ssyncset.done $0x0  }
0x182: {  	s5 =	sadd.s32 $0xFFFFFFFF, s5;
	[sflag:s1] =	ssyncadd.s32 $0xFFFFD800  }
.LBB2_3:
0x183: {  	_ =	sfence.sel $0x180000  }
0x184: {  	[bflag:$0x0] =	sbarrier.arrive $0xFFFF  }
0x185: {  	_ =	strace $0x90000047  }
0x186: {  	s0 =	stileid.u32;
	[bflag:$0x2] =	sbarrier.arrive $0xFFFF  }
0x187: {  	p0 =	sne.s32 s0, $0x0;
	s0 =	rddreg [dreg:$0x2]  }
0x188: {  	s0 =	sadd.s32 @!p0 $0x100000, s0  }
0x189: {  	[sflag:s0] =	ssyncadd.tile.s32 @!p0 $0x1;
	_ =	shalt  }
.Lfunc_end2:
_tile_overlayer_lowered:
.L_overlay_start_2:
0x18a: {  	(tag) =	ssettag $0x2  }
0x18b: {  	s0 =	rddreg [dreg:$0x0];
	s2 =	stileid.u32  }
0x18c: {  	s1 =	rddreg [dreg:$0x1];
	p0 =	sne.s32 s2, $0x0  }
0x18d: {  	s3 =	rddreg [dreg:$0x2];
	[bflag:$0x3] =	sbarrier.arrive $0xFFFF;
	s2 =	simm.s32 @!p0 $0x1C0B  }
0x18e: {  	[timem:s3], [sflag:s2] =	dma.local @!p0 [hbm:s0], s1  }
0x18f: {  	s0 =	simm.s32 @!p0 $0xB  }
0x190: {  	_ =	swait.ge @!p0 [sflag:s0], s1  }
0x191: {  	s1 =	ssub.s32 @!p0 $0x0, s1;
	[sflag:s0] =	ssyncset.done @!p0 $0x0  }
0x192: {  	[sflag:s0] =	ssyncadd.s32 @!p0 s1  }
0x193: {  	[bflag:$0x3] =	sbarrier.arrive $0xFFFF  }
0x194: {  	_ =	shalt  }

</sc_bundles>
